<compile_context>
chip_gen: v7x
topology: tpu7x:2x2x1
jax: 0.10.2.dev20260603
libtpu: 0.0.44.dev20260713+nightly
codegen_flags: <defaults>
</compile_context>

<pallas_src>
import jax
import jax.numpy as jnp
from jax import lax
from jax.experimental import pallas as pl
from jax.experimental.pallas import tpu as pltpu
from jax.experimental.pallas import tpu_sc as plsc

NC = 2
NS = 16
NW = NC * NS
L = 16

ROWS = 524288
COLS = 8
TILE_ROWS = 128
TILES = ROWS // TILE_ROWS
TPW = TILES // NW
CHUNK_T = 16
NCHUNK = TPW // CHUNK_T
NBUF = 2

_mesh = plsc.VectorSubcoreMesh(core_axis_name="c", subcore_axis_name="s",
                               num_cores=NC, num_subcores=NS)


def _softmax_chunk(in_buf, out_buf):
    zeros = jnp.zeros((L,), jnp.float32)

    @plsc.parallel_loop(0, CHUNK_T * (TILE_ROWS // L), 1, unroll=2)
    def _grp(g):
        t = lax.shift_right_logical(g, 3)
        l0 = lax.shift_left(lax.bitwise_and(g, 7), 4)
        cols = [in_buf[t, c, pl.ds(l0, L)] for c in range(7)]
        m01 = jnp.maximum(cols[0], cols[1])
        m23 = jnp.maximum(cols[2], cols[3])
        m45 = jnp.maximum(cols[4], cols[5])
        m = jnp.maximum(jnp.maximum(m01, m23), jnp.maximum(m45, cols[6]))
        es = [jnp.exp(v - m) for v in cols]
        s01 = es[0] + es[1]
        s23 = es[2] + es[3]
        s45 = es[4] + es[5]
        s = (s01 + s23) + (s45 + es[6])
        inv = jnp.float32(1.0 / 256.0) / s
        for c in range(7):
            out_buf[t, c, pl.ds(l0, L)] = es[c] * inv
        out_buf[t, 7, pl.ds(l0, L)] = zeros


def _body(in_hbm, out_hbm,
          in_v0, in_v1, out_v0, out_v1, isem0, isem1, osem0, osem1):
    in_bufs = (in_v0, in_v1)
    out_bufs = (out_v0, out_v1)
    isems = (isem0, isem1)
    osems = (osem0, osem1)

    wid = lax.axis_index("s") * NC + lax.axis_index("c")
    base = wid * TPW

    for b in range(NBUF):
        pltpu.async_copy(
            in_hbm.at[pl.ds(base + b * CHUNK_T, CHUNK_T), pl.ds(0, 7)],
            in_bufs[b], isems[b])

    @pl.loop(0, NCHUNK, step=NBUF)
    def _outer(g0):
        for b in range(NBUF):
            g = g0 + b
            off = base + g * CHUNK_T
            pltpu.make_async_copy(
                in_hbm.at[pl.ds(off, CHUNK_T), pl.ds(0, 7)],
                in_bufs[b], isems[b]).wait()

            @pl.when(g0 > 0)
            def _():
                pltpu.make_async_copy(
                    out_bufs[b],
                    out_hbm.at[pl.ds(off - NBUF * CHUNK_T, CHUNK_T)],
                    osems[b]).wait()

            _softmax_chunk(in_bufs[b], out_bufs[b])

            pltpu.async_copy(out_bufs[b], out_hbm.at[pl.ds(off, CHUNK_T)],
                             osems[b])

            @pl.when(g + NBUF < NCHUNK)
            def _():
                pltpu.async_copy(
                    in_hbm.at[pl.ds(off + NBUF * CHUNK_T, CHUNK_T),
                              pl.ds(0, 7)],
                    in_bufs[b], isems[b])

    for b in range(NBUF):
        off = base + (NCHUNK - NBUF + b) * CHUNK_T
        pltpu.make_async_copy(out_bufs[b],
                              out_hbm.at[pl.ds(off, CHUNK_T)],
                              osems[b]).wait()


_sc_call = pl.kernel(
    _body,
    out_type=jax.ShapeDtypeStruct((TILES, COLS, TILE_ROWS), jnp.float32),
    mesh=_mesh,
    scratch_types=[
        pltpu.VMEM((CHUNK_T, COLS - 1, TILE_ROWS), jnp.float32),
        pltpu.VMEM((CHUNK_T, COLS - 1, TILE_ROWS), jnp.float32),
        pltpu.VMEM((CHUNK_T, COLS, TILE_ROWS), jnp.float32),
        pltpu.VMEM((CHUNK_T, COLS, TILE_ROWS), jnp.float32),
        pltpu.SemaphoreType.DMA,
        pltpu.SemaphoreType.DMA,
        pltpu.SemaphoreType.DMA,
        pltpu.SemaphoreType.DMA,
    ],
    compiler_params=pltpu.CompilerParams(needs_layout_passes=False,
                                         use_tc_tiling_on_sc=False),
)


def kernel(input):
    x3 = input.reshape(TILES, TILE_ROWS, COLS).swapaxes(1, 2)
    out3 = _sc_call(x3)
    return out3.swapaxes(1, 2).reshape(ROWS, COLS)

# --- scband reference (transcript-rebuilt; emitter-appended) ---
"""Pipeline reference for scband-softmax-actions-8065948581897 (READ-ONLY COPY).

The authoritative reference and input builder live on the scoring server;
editing this copy changes nothing except your own understanding.
"""

import jax, jax.numpy as jnp
import numpy as np

# Legal indices for the mh4 transition system when stack>=3 and buffer>=1:
# legal_indices_mh4 appends [4, 6, 2, 3, 5, 1, 0]
LEGAL_INDICES = jnp.array([4, 6, 2, 3, 5, 1, 0], dtype=jnp.int32)
DIM = 1

def setup_inputs(seed: int = 0) -> dict:
    key = jax.random.key(seed)
    x = jax.random.normal(key, (524288, 8), dtype=jnp.float32)
    return {"input": x}

def reference(input) -> jnp.ndarray:
    # tmp = F.softmax(input[:, self.indices], self.dim)
    gathered = jnp.take(input, LEGAL_INDICES, axis=1)
    tmp = jax.nn.softmax(gathered, axis=DIM)
    # tmp = torch.div(tmp, 2 ** 8)
    tmp = tmp / (2 ** 8)
    # ret = torch.zeros_like(input); ret[:, self.indices] = tmp
    ret = jnp.zeros_like(input)
    ret = ret.at[:, LEGAL_INDICES].set(tmp)
    return ret

if __name__ == "__main__":
    import jax
    _d = setup_inputs()
    print(jax.jit(kernel)(*tuple(_d.values())))

</pallas_src>

<mosaic_0001>
#map = affine_map<(d0, d1) -> (0, 0, 0)>
module attributes {stable_mosaic.version = 14 : i64} {
  func.func @_body(%arg0: i32, %arg1: i32, %arg2: memref<4096x8x128xf32, #tpu.memory_space<hbm>>, %arg3: memref<4096x8x128xf32, #tpu.memory_space<hbm>>, %arg4: memref<16x7x128xf32, #tpu.memory_space<vmem>>, %arg5: memref<16x7x128xf32, #tpu.memory_space<vmem>>, %arg6: memref<16x8x128xf32, #tpu.memory_space<vmem>>, %arg7: memref<16x8x128xf32, #tpu.memory_space<vmem>>, %arg8: memref<!tpu.dma_semaphore, #tpu.memory_space<semaphore_mem>>, %arg9: memref<!tpu.dma_semaphore, #tpu.memory_space<semaphore_mem>>, %arg10: memref<!tpu.dma_semaphore, #tpu.memory_space<semaphore_mem>>, %arg11: memref<!tpu.dma_semaphore, #tpu.memory_space<semaphore_mem>>) attributes {dimension_semantics = [#tpu.dimension_semantics<core_parallel>, #tpu.dimension_semantics<subcore_parallel>], iteration_bounds = array<i64: 2, 16>, scalar_prefetch = 0 : i64, scratch_operands = 8 : i64, tpu.core_type = #tpu.core_type<sc_vector_subcore>, window_params = [{transform_indices = #map}, {transform_indices = #map}]} {
    %mul3A = arith.constant 2 : i32
    %mul3A_0 = arith.muli %arg1, %mul3A : i32
    %add3A = arith.addi %mul3A_0, %arg0 : i32
    %mul3A_1 = arith.constant 128 : i32
    %mul3A_2 = arith.muli %add3A, %mul3A_1 : i32
    %add3A_3 = arith.constant 0 : i32
    %add3A_4 = arith.addi %mul3A_2, %add3A_3 : i32
    %dma_start3A = arith.constant 0 : i32
    %dma_start3A_5 = arith.constant 0 : i32
    %dma_start3A_6 = tpu.memref_slice %arg2[%add3A_4, %dma_start3A, %dma_start3A_5] : memref<4096x8x128xf32, #tpu.memory_space<hbm>> -> memref<16x7x128xf32, #tpu.memory_space<hbm>>
    %dma_start3A_7 = arith.constant 0 : i32
    %dma_start3A_8 = arith.constant 0 : i32
    %dma_start3A_9 = tpu.memref_slice %arg2[%add3A_4, %dma_start3A_7, %dma_start3A_8] : memref<4096x8x128xf32, #tpu.memory_space<hbm>> -> memref<16x7x128xf32, #tpu.memory_space<hbm>>
    tpu.enqueue_dma source(%dma_start3A_9 : memref<16x7x128xf32, #tpu.memory_space<hbm>>) target(%arg4 : memref<16x7x128xf32, #tpu.memory_space<vmem>>) target_semaphore(%arg8 : memref<!tpu.dma_semaphore, #tpu.memory_space<semaphore_mem>>)
    %add3A_10 = arith.constant 16 : i32
    %add3A_11 = arith.addi %mul3A_2, %add3A_10 : i32
    %dma_start3A_12 = arith.constant 0 : i32
    %dma_start3A_13 = arith.constant 0 : i32
    %dma_start3A_14 = tpu.memref_slice %arg2[%add3A_11, %dma_start3A_12, %dma_start3A_13] : memref<4096x8x128xf32, #tpu.memory_space<hbm>> -> memref<16x7x128xf32, #tpu.memory_space<hbm>>
    %dma_start3A_15 = arith.constant 0 : i32
    %dma_start3A_16 = arith.constant 0 : i32
    %dma_start3A_17 = tpu.memref_slice %arg2[%add3A_11, %dma_start3A_15, %dma_start3A_16] : memref<4096x8x128xf32, #tpu.memory_space<hbm>> -> memref<16x7x128xf32, #tpu.memory_space<hbm>>
    tpu.enqueue_dma source(%dma_start3A_17 : memref<16x7x128xf32, #tpu.memory_space<hbm>>) target(%arg5 : memref<16x7x128xf32, #tpu.memory_space<vmem>>) target_semaphore(%arg9 : memref<!tpu.dma_semaphore, #tpu.memory_space<semaphore_mem>>)
    %scan3A = arith.constant 0 : i32
    %scan3A_18 = arith.constant 4 : i32
    %scan3A_19 = arith.addi %scan3A, %scan3A_18 : i32
    %scan3A_20 = arith.constant 1 : i32
    scf.for %scan3A_37 = %scan3A to %scan3A_19 step %scan3A_20  : i32 {
      %mul3A_38 = arith.constant 2 : i32
      %mul3A_39 = arith.muli %scan3A_37, %mul3A_38 : i32
      %add3A_40 = arith.constant 0 : i32
      %add3A_41 = arith.addi %add3A_40, %mul3A_39 : i32
      %add3A_42 = arith.constant 0 : i32
      %add3A_43 = arith.addi %add3A_41, %add3A_42 : i32
      %mul3A_44 = arith.constant 16 : i32
      %mul3A_45 = arith.muli %add3A_43, %mul3A_44 : i32
      %add3A_46 = arith.addi %mul3A_2, %mul3A_45 : i32
      %dma_wait3A_47 = arith.constant 0 : i32
      %dma_wait3A_48 = arith.constant 0 : i32
      %dma_wait3A_49 = tpu.memref_slice %arg2[%add3A_46, %dma_wait3A_47, %dma_wait3A_48] : memref<4096x8x128xf32, #tpu.memory_space<hbm>> -> memref<16x7x128xf32, #tpu.memory_space<hbm>>
      %dma_wait3A_50 = arith.constant 0 : i32
      %dma_wait3A_51 = arith.constant 0 : i32
      %dma_wait3A_52 = tpu.memref_slice %arg2[%add3A_46, %dma_wait3A_50, %dma_wait3A_51] : memref<4096x8x128xf32, #tpu.memory_space<hbm>> -> memref<16x7x128xf32, #tpu.memory_space<hbm>>
      tpu.wait_dma2 semaphore(%arg8 : memref<!tpu.dma_semaphore, #tpu.memory_space<semaphore_mem>>) src(%dma_wait3A_52 : memref<16x7x128xf32, #tpu.memory_space<hbm>>) dst(%arg4 : memref<16x7x128xf32, #tpu.memory_space<vmem>>)
      %gt3A = arith.constant 0 : i32
      %gt3A_53 = arith.cmpi sgt, %add3A_41, %gt3A : i32
      %convert_element_type3A = arith.extui %gt3A_53 : i1 to i32
      %cond3A = arith.constant 0 : i32
      %cond3A_54 = arith.cmpi ne, %convert_element_type3A, %cond3A : i32
      scf.if %cond3A_54 {
        %sub3A = arith.constant 32 : i32
        %sub3A_104 = arith.subi %add3A_46, %sub3A : i32
        %dma_wait3A_105 = arith.constant 0 : i32
        %dma_wait3A_106 = arith.constant 0 : i32
        %dma_wait3A_107 = tpu.memref_slice %arg3[%sub3A_104, %dma_wait3A_105, %dma_wait3A_106] : memref<4096x8x128xf32, #tpu.memory_space<hbm>> -> memref<16x8x128xf32, #tpu.memory_space<hbm>>
        %dma_wait3A_108 = arith.constant 0 : i32
        %dma_wait3A_109 = arith.constant 0 : i32
        %dma_wait3A_110 = tpu.memref_slice %arg3[%sub3A_104, %dma_wait3A_108, %dma_wait3A_109] : memref<4096x8x128xf32, #tpu.memory_space<hbm>> -> memref<16x8x128xf32, #tpu.memory_space<hbm>>
        tpu.wait_dma2 semaphore(%arg10 : memref<!tpu.dma_semaphore, #tpu.memory_space<semaphore_mem>>) src(%arg6 : memref<16x8x128xf32, #tpu.memory_space<vmem>>) dst(%dma_wait3A_110 : memref<16x8x128xf32, #tpu.memory_space<hbm>>)
      } else {
      }
      %broadcast_in_dim3A = arith.constant 0.000000e+00 : f32
      %broadcast_in_dim3A_55 = vector.broadcast %broadcast_in_dim3A : f32 to vector<16xf32>
      %parallel_loop3A = arith.constant 0 : i32
      %parallel_loop3A_56 = arith.constant 128 : i32
      %parallel_loop3A_57 = arith.constant 1 : i32
      scf.for %parallel_loop3A_104 = %parallel_loop3A to %parallel_loop3A_56 step %parallel_loop3A_57  : i32 {
        %parallel_loop3A_105 = arith.constant 3 : i32
        %parallel_loop3A_106 = arith.shrui %parallel_loop3A_104, %parallel_loop3A_105 : i32
        %parallel_loop3A_107 = arith.constant 7 : i32
        %parallel_loop3A_108 = arith.andi %parallel_loop3A_104, %parallel_loop3A_107 : i32
        %parallel_loop3A_109 = arith.constant 4 : i32
        %parallel_loop3A_110 = arith.shli %parallel_loop3A_108, %parallel_loop3A_109 : i32
        %parallel_loop3A_111 = arith.constant 0 : i32
        %parallel_loop3A_112 = arith.index_cast %parallel_loop3A_106 : i32 to index
        %parallel_loop3A_113 = arith.index_cast %parallel_loop3A_111 : i32 to index
        %parallel_loop3A_114 = arith.index_cast %parallel_loop3A_110 : i32 to index
        %parallel_loop3A_115 = tpu.vector_load %arg4[%parallel_loop3A_112, %parallel_loop3A_113, %parallel_loop3A_114] {strides = array<i32>} : memref<16x7x128xf32, #tpu.memory_space<vmem>>, vector<16xf32>,
        %parallel_loop3A_116 = arith.constant 1 : i32
        %parallel_loop3A_117 = arith.index_cast %parallel_loop3A_106 : i32 to index
        %parallel_loop3A_118 = arith.index_cast %parallel_loop3A_116 : i32 to index
        %parallel_loop3A_119 = arith.index_cast %parallel_loop3A_110 : i32 to index
        %parallel_loop3A_120 = tpu.vector_load %arg4[%parallel_loop3A_117, %parallel_loop3A_118, %parallel_loop3A_119] {strides = array<i32>} : memref<16x7x128xf32, #tpu.memory_space<vmem>>, vector<16xf32>,
        %parallel_loop3A_121 = arith.constant 2 : i32
        %parallel_loop3A_122 = arith.index_cast %parallel_loop3A_106 : i32 to index
        %parallel_loop3A_123 = arith.index_cast %parallel_loop3A_121 : i32 to index
        %parallel_loop3A_124 = arith.index_cast %parallel_loop3A_110 : i32 to index
        %parallel_loop3A_125 = tpu.vector_load %arg4[%parallel_loop3A_122, %parallel_loop3A_123, %parallel_loop3A_124] {strides = array<i32>} : memref<16x7x128xf32, #tpu.memory_space<vmem>>, vector<16xf32>,
        %parallel_loop3A_126 = arith.constant 3 : i32
        %parallel_loop3A_127 = arith.index_cast %parallel_loop3A_106 : i32 to index
        %parallel_loop3A_128 = arith.index_cast %parallel_loop3A_126 : i32 to index
        %parallel_loop3A_129 = arith.index_cast %parallel_loop3A_110 : i32 to index
        %parallel_loop3A_130 = tpu.vector_load %arg4[%parallel_loop3A_127, %parallel_loop3A_128, %parallel_loop3A_129] {strides = array<i32>} : memref<16x7x128xf32, #tpu.memory_space<vmem>>, vector<16xf32>,
        %parallel_loop3A_131 = arith.constant 4 : i32
        %parallel_loop3A_132 = arith.index_cast %parallel_loop3A_106 : i32 to index
        %parallel_loop3A_133 = arith.index_cast %parallel_loop3A_131 : i32 to index
        %parallel_loop3A_134 = arith.index_cast %parallel_loop3A_110 : i32 to index
        %parallel_loop3A_135 = tpu.vector_load %arg4[%parallel_loop3A_132, %parallel_loop3A_133, %parallel_loop3A_134] {strides = array<i32>} : memref<16x7x128xf32, #tpu.memory_space<vmem>>, vector<16xf32>,
        %parallel_loop3A_136 = arith.constant 5 : i32
        %parallel_loop3A_137 = arith.index_cast %parallel_loop3A_106 : i32 to index
        %parallel_loop3A_138 = arith.index_cast %parallel_loop3A_136 : i32 to index
        %parallel_loop3A_139 = arith.index_cast %parallel_loop3A_110 : i32 to index
        %parallel_loop3A_140 = tpu.vector_load %arg4[%parallel_loop3A_137, %parallel_loop3A_138, %parallel_loop3A_139] {strides = array<i32>} : memref<16x7x128xf32, #tpu.memory_space<vmem>>, vector<16xf32>,
        %parallel_loop3A_141 = arith.constant 6 : i32
        %parallel_loop3A_142 = arith.index_cast %parallel_loop3A_106 : i32 to index
        %parallel_loop3A_143 = arith.index_cast %parallel_loop3A_141 : i32 to index
        %parallel_loop3A_144 = arith.index_cast %parallel_loop3A_110 : i32 to index
        %parallel_loop3A_145 = tpu.vector_load %arg4[%parallel_loop3A_142, %parallel_loop3A_143, %parallel_loop3A_144] {strides = array<i32>} : memref<16x7x128xf32, #tpu.memory_space<vmem>>, vector<16xf32>,
        %parallel_loop3A_146 = arith.maximumf %parallel_loop3A_115, %parallel_loop3A_120 : vector<16xf32>
        %parallel_loop3A_147 = arith.maximumf %parallel_loop3A_125, %parallel_loop3A_130 : vector<16xf32>
        %parallel_loop3A_148 = arith.maximumf %parallel_loop3A_135, %parallel_loop3A_140 : vector<16xf32>
        %parallel_loop3A_149 = arith.maximumf %parallel_loop3A_146, %parallel_loop3A_147 : vector<16xf32>
        %parallel_loop3A_150 = arith.maximumf %parallel_loop3A_148, %parallel_loop3A_145 : vector<16xf32>
        %parallel_loop3A_151 = arith.maximumf %parallel_loop3A_149, %parallel_loop3A_150 : vector<16xf32>
        %parallel_loop3A_152 = arith.subf %parallel_loop3A_115, %parallel_loop3A_151 : vector<16xf32>
        %parallel_loop3A_153 = math.exp %parallel_loop3A_152 : vector<16xf32>
        %parallel_loop3A_154 = arith.subf %parallel_loop3A_120, %parallel_loop3A_151 : vector<16xf32>
        %parallel_loop3A_155 = math.exp %parallel_loop3A_154 : vector<16xf32>
        %parallel_loop3A_156 = arith.subf %parallel_loop3A_125, %parallel_loop3A_151 : vector<16xf32>
        %parallel_loop3A_157 = math.exp %parallel_loop3A_156 : vector<16xf32>
        %parallel_loop3A_158 = arith.subf %parallel_loop3A_130, %parallel_loop3A_151 : vector<16xf32>
        %parallel_loop3A_159 = math.exp %parallel_loop3A_158 : vector<16xf32>
        %parallel_loop3A_160 = arith.subf %parallel_loop3A_135, %parallel_loop3A_151 : vector<16xf32>
        %parallel_loop3A_161 = math.exp %parallel_loop3A_160 : vector<16xf32>
        %parallel_loop3A_162 = arith.subf %parallel_loop3A_140, %parallel_loop3A_151 : vector<16xf32>
        %parallel_loop3A_163 = math.exp %parallel_loop3A_162 : vector<16xf32>
        %parallel_loop3A_164 = arith.subf %parallel_loop3A_145, %parallel_loop3A_151 : vector<16xf32>
        %parallel_loop3A_165 = math.exp %parallel_loop3A_164 : vector<16xf32>
        %parallel_loop3A_166 = arith.addf %parallel_loop3A_153, %parallel_loop3A_155 : vector<16xf32>
        %parallel_loop3A_167 = arith.addf %parallel_loop3A_157, %parallel_loop3A_159 : vector<16xf32>
        %parallel_loop3A_168 = arith.addf %parallel_loop3A_161, %parallel_loop3A_163 : vector<16xf32>
        %parallel_loop3A_169 = arith.addf %parallel_loop3A_166, %parallel_loop3A_167 : vector<16xf32>
        %parallel_loop3A_170 = arith.addf %parallel_loop3A_168, %parallel_loop3A_165 : vector<16xf32>
        %parallel_loop3A_171 = arith.addf %parallel_loop3A_169, %parallel_loop3A_170 : vector<16xf32>
        %parallel_loop3A_172 = arith.constant 3.906250e-03 : f32
        %parallel_loop3A_173 = vector.broadcast %parallel_loop3A_172 : f32 to vector<16xf32>
        %parallel_loop3A_174 = arith.divf %parallel_loop3A_173, %parallel_loop3A_171 : vector<16xf32>
        %parallel_loop3A_175 = arith.mulf %parallel_loop3A_153, %parallel_loop3A_174 : vector<16xf32>
        %parallel_loop3A_176 = arith.constant 0 : i32
        %parallel_loop3A_177 = arith.index_cast %parallel_loop3A_106 : i32 to index
        %parallel_loop3A_178 = arith.index_cast %parallel_loop3A_176 : i32 to index
        %parallel_loop3A_179 = arith.index_cast %parallel_loop3A_110 : i32 to index
        %parallel_loop3A_180 = tpu.vector_load %arg6[%parallel_loop3A_177, %parallel_loop3A_178, %parallel_loop3A_179] {strides = array<i32>} : memref<16x8x128xf32, #tpu.memory_space<vmem>>, vector<16xf32>,
        tpu.vector_store %arg6[%parallel_loop3A_177, %parallel_loop3A_178, %parallel_loop3A_179], %parallel_loop3A_175 {strides = array<i32>} : memref<16x8x128xf32, #tpu.memory_space<vmem>>, vector<16xf32>,
        %parallel_loop3A_181 = arith.mulf %parallel_loop3A_155, %parallel_loop3A_174 : vector<16xf32>
        %parallel_loop3A_182 = arith.constant 1 : i32
        %parallel_loop3A_183 = arith.index_cast %parallel_loop3A_106 : i32 to index
        %parallel_loop3A_184 = arith.index_cast %parallel_loop3A_182 : i32 to index
        %parallel_loop3A_185 = arith.index_cast %parallel_loop3A_110 : i32 to index
        %parallel_loop3A_186 = tpu.vector_load %arg6[%parallel_loop3A_183, %parallel_loop3A_184, %parallel_loop3A_185] {strides = array<i32>} : memref<16x8x128xf32, #tpu.memory_space<vmem>>, vector<16xf32>,
        tpu.vector_store %arg6[%parallel_loop3A_183, %parallel_loop3A_184, %parallel_loop3A_185], %parallel_loop3A_181 {strides = array<i32>} : memref<16x8x128xf32, #tpu.memory_space<vmem>>, vector<16xf32>,
        %parallel_loop3A_187 = arith.mulf %parallel_loop3A_157, %parallel_loop3A_174 : vector<16xf32>
        %parallel_loop3A_188 = arith.constant 2 : i32
        %parallel_loop3A_189 = arith.index_cast %parallel_loop3A_106 : i32 to index
        %parallel_loop3A_190 = arith.index_cast %parallel_loop3A_188 : i32 to index
        %parallel_loop3A_191 = arith.index_cast %parallel_loop3A_110 : i32 to index
        %parallel_loop3A_192 = tpu.vector_load %arg6[%parallel_loop3A_189, %parallel_loop3A_190, %parallel_loop3A_191] {strides = array<i32>} : memref<16x8x128xf32, #tpu.memory_space<vmem>>, vector<16xf32>,
        tpu.vector_store %arg6[%parallel_loop3A_189, %parallel_loop3A_190, %parallel_loop3A_191], %parallel_loop3A_187 {strides = array<i32>} : memref<16x8x128xf32, #tpu.memory_space<vmem>>, vector<16xf32>,
        %parallel_loop3A_193 = arith.mulf %parallel_loop3A_159, %parallel_loop3A_174 : vector<16xf32>
        %parallel_loop3A_194 = arith.constant 3 : i32
        %parallel_loop3A_195 = arith.index_cast %parallel_loop3A_106 : i32 to index
        %parallel_loop3A_196 = arith.index_cast %parallel_loop3A_194 : i32 to index
        %parallel_loop3A_197 = arith.index_cast %parallel_loop3A_110 : i32 to index
        %parallel_loop3A_198 = tpu.vector_load %arg6[%parallel_loop3A_195, %parallel_loop3A_196, %parallel_loop3A_197] {strides = array<i32>} : memref<16x8x128xf32, #tpu.memory_space<vmem>>, vector<16xf32>,
        tpu.vector_store %arg6[%parallel_loop3A_195, %parallel_loop3A_196, %parallel_loop3A_197], %parallel_loop3A_193 {strides = array<i32>} : memref<16x8x128xf32, #tpu.memory_space<vmem>>, vector<16xf32>,
        %parallel_loop3A_199 = arith.mulf %parallel_loop3A_161, %parallel_loop3A_174 : vector<16xf32>
        %parallel_loop3A_200 = arith.constant 4 : i32
        %parallel_loop3A_201 = arith.index_cast %parallel_loop3A_106 : i32 to index
        %parallel_loop3A_202 = arith.index_cast %parallel_loop3A_200 : i32 to index
        %parallel_loop3A_203 = arith.index_cast %parallel_loop3A_110 : i32 to index
        %parallel_loop3A_204 = tpu.vector_load %arg6[%parallel_loop3A_201, %parallel_loop3A_202, %parallel_loop3A_203] {strides = array<i32>} : memref<16x8x128xf32, #tpu.memory_space<vmem>>, vector<16xf32>,
        tpu.vector_store %arg6[%parallel_loop3A_201, %parallel_loop3A_202, %parallel_loop3A_203], %parallel_loop3A_199 {strides = array<i32>} : memref<16x8x128xf32, #tpu.memory_space<vmem>>, vector<16xf32>,
        %parallel_loop3A_205 = arith.mulf %parallel_loop3A_163, %parallel_loop3A_174 : vector<16xf32>
        %parallel_loop3A_206 = arith.constant 5 : i32
        %parallel_loop3A_207 = arith.index_cast %parallel_loop3A_106 : i32 to index
        %parallel_loop3A_208 = arith.index_cast %parallel_loop3A_206 : i32 to index
        %parallel_loop3A_209 = arith.index_cast %parallel_loop3A_110 : i32 to index
        %parallel_loop3A_210 = tpu.vector_load %arg6[%parallel_loop3A_207, %parallel_loop3A_208, %parallel_loop3A_209] {strides = array<i32>} : memref<16x8x128xf32, #tpu.memory_space<vmem>>, vector<16xf32>,
        tpu.vector_store %arg6[%parallel_loop3A_207, %parallel_loop3A_208, %parallel_loop3A_209], %parallel_loop3A_205 {strides = array<i32>} : memref<16x8x128xf32, #tpu.memory_space<vmem>>, vector<16xf32>,
        %parallel_loop3A_211 = arith.mulf %parallel_loop3A_165, %parallel_loop3A_174 : vector<16xf32>
        %parallel_loop3A_212 = arith.constant 6 : i32
        %parallel_loop3A_213 = arith.index_cast %parallel_loop3A_106 : i32 to index
        %parallel_loop3A_214 = arith.index_cast %parallel_loop3A_212 : i32 to index
        %parallel_loop3A_215 = arith.index_cast %parallel_loop3A_110 : i32 to index
        %parallel_loop3A_216 = tpu.vector_load %arg6[%parallel_loop3A_213, %parallel_loop3A_214, %parallel_loop3A_215] {strides = array<i32>} : memref<16x8x128xf32, #tpu.memory_space<vmem>>, vector<16xf32>,
        tpu.vector_store %arg6[%parallel_loop3A_213, %parallel_loop3A_214, %parallel_loop3A_215], %parallel_loop3A_211 {strides = array<i32>} : memref<16x8x128xf32, #tpu.memory_space<vmem>>, vector<16xf32>,
        %parallel_loop3A_217 = arith.constant 7 : i32
        %parallel_loop3A_218 = arith.index_cast %parallel_loop3A_106 : i32 to index
        %parallel_loop3A_219 = arith.index_cast %parallel_loop3A_217 : i32 to index
        %parallel_loop3A_220 = arith.index_cast %parallel_loop3A_110 : i32 to index
        %parallel_loop3A_221 = tpu.vector_load %arg6[%parallel_loop3A_218, %parallel_loop3A_219, %parallel_loop3A_220] {strides = array<i32>} : memref<16x8x128xf32, #tpu.memory_space<vmem>>, vector<16xf32>,
        tpu.vector_store %arg6[%parallel_loop3A_218, %parallel_loop3A_219, %parallel_loop3A_220], %broadcast_in_dim3A_55 {strides = array<i32>} : memref<16x8x128xf32, #tpu.memory_space<vmem>>, vector<16xf32>,
      } {sc.loop_unroll_factor = 2 : i64, sc.parallel_access}
      %dma_start3A_58 = arith.constant 0 : i32
      %dma_start3A_59 = arith.constant 0 : i32
      %dma_start3A_60 = tpu.memref_slice %arg3[%add3A_46, %dma_start3A_58, %dma_start3A_59] : memref<4096x8x128xf32, #tpu.memory_space<hbm>> -> memref<16x8x128xf32, #tpu.memory_space<hbm>>
      %dma_start3A_61 = arith.constant 0 : i32
      %dma_start3A_62 = arith.constant 0 : i32
      %dma_start3A_63 = tpu.memref_slice %arg3[%add3A_46, %dma_start3A_61, %dma_start3A_62] : memref<4096x8x128xf32, #tpu.memory_space<hbm>> -> memref<16x8x128xf32, #tpu.memory_space<hbm>>
      tpu.enqueue_dma source(%arg6 : memref<16x8x128xf32, #tpu.memory_space<vmem>>) target(%dma_start3A_63 : memref<16x8x128xf32, #tpu.memory_space<hbm>>) target_semaphore(%arg10 : memref<!tpu.dma_semaphore, #tpu.memory_space<semaphore_mem>>)
      %add3A_64 = arith.constant 2 : i32
      %add3A_65 = arith.addi %add3A_43, %add3A_64 : i32
      %lt3A = arith.constant 8 : i32
      %lt3A_66 = arith.cmpi slt, %add3A_65, %lt3A : i32
      %convert_element_type3A_67 = arith.extui %lt3A_66 : i1 to i32
      %cond3A_68 = arith.constant 0 : i32
      %cond3A_69 = arith.cmpi ne, %convert_element_type3A_67, %cond3A_68 : i32
      scf.if %cond3A_69 {
        %add3A_104 = arith.constant 32 : i32
        %add3A_105 = arith.addi %add3A_46, %add3A_104 : i32
        %dma_start3A_106 = arith.constant 0 : i32
        %dma_start3A_107 = arith.constant 0 : i32
        %dma_start3A_108 = tpu.memref_slice %arg2[%add3A_105, %dma_start3A_106, %dma_start3A_107] : memref<4096x8x128xf32, #tpu.memory_space<hbm>> -> memref<16x7x128xf32, #tpu.memory_space<hbm>>
        %dma_start3A_109 = arith.constant 0 : i32
        %dma_start3A_110 = arith.constant 0 : i32
        %dma_start3A_111 = tpu.memref_slice %arg2[%add3A_105, %dma_start3A_109, %dma_start3A_110] : memref<4096x8x128xf32, #tpu.memory_space<hbm>> -> memref<16x7x128xf32, #tpu.memory_space<hbm>>
        tpu.enqueue_dma source(%dma_start3A_111 : memref<16x7x128xf32, #tpu.memory_space<hbm>>) target(%arg4 : memref<16x7x128xf32, #tpu.memory_space<vmem>>) target_semaphore(%arg8 : memref<!tpu.dma_semaphore, #tpu.memory_space<semaphore_mem>>)
      } else {
      }
      %add3A_70 = arith.constant 1 : i32
      %add3A_71 = arith.addi %add3A_41, %add3A_70 : i32
      %mul3A_72 = arith.constant 16 : i32
      %mul3A_73 = arith.muli %add3A_71, %mul3A_72 : i32
      %add3A_74 = arith.addi %mul3A_2, %mul3A_73 : i32
      %dma_wait3A_75 = arith.constant 0 : i32
      %dma_wait3A_76 = arith.constant 0 : i32
      %dma_wait3A_77 = tpu.memref_slice %arg2[%add3A_74, %dma_wait3A_75, %dma_wait3A_76] : memref<4096x8x128xf32, #tpu.memory_space<hbm>> -> memref<16x7x128xf32, #tpu.memory_space<hbm>>
      %dma_wait3A_78 = arith.constant 0 : i32
      %dma_wait3A_79 = arith.constant 0 : i32
      %dma_wait3A_80 = tpu.memref_slice %arg2[%add3A_74, %dma_wait3A_78, %dma_wait3A_79] : memref<4096x8x128xf32, #tpu.memory_space<hbm>> -> memref<16x7x128xf32, #tpu.memory_space<hbm>>
      tpu.wait_dma2 semaphore(%arg9 : memref<!tpu.dma_semaphore, #tpu.memory_space<semaphore_mem>>) src(%dma_wait3A_80 : memref<16x7x128xf32, #tpu.memory_space<hbm>>) dst(%arg5 : memref<16x7x128xf32, #tpu.memory_space<vmem>>)
      %gt3A_81 = arith.constant 0 : i32
      %gt3A_82 = arith.cmpi sgt, %add3A_41, %gt3A_81 : i32
      %convert_element_type3A_83 = arith.extui %gt3A_82 : i1 to i32
      %cond3A_84 = arith.constant 0 : i32
      %cond3A_85 = arith.cmpi ne, %convert_element_type3A_83, %cond3A_84 : i32
      scf.if %cond3A_85 {
        %sub3A = arith.constant 32 : i32
        %sub3A_104 = arith.subi %add3A_74, %sub3A : i32
        %dma_wait3A_105 = arith.constant 0 : i32
        %dma_wait3A_106 = arith.constant 0 : i32
        %dma_wait3A_107 = tpu.memref_slice %arg3[%sub3A_104, %dma_wait3A_105, %dma_wait3A_106] : memref<4096x8x128xf32, #tpu.memory_space<hbm>> -> memref<16x8x128xf32, #tpu.memory_space<hbm>>
        %dma_wait3A_108 = arith.constant 0 : i32
        %dma_wait3A_109 = arith.constant 0 : i32
        %dma_wait3A_110 = tpu.memref_slice %arg3[%sub3A_104, %dma_wait3A_108, %dma_wait3A_109] : memref<4096x8x128xf32, #tpu.memory_space<hbm>> -> memref<16x8x128xf32, #tpu.memory_space<hbm>>
        tpu.wait_dma2 semaphore(%arg11 : memref<!tpu.dma_semaphore, #tpu.memory_space<semaphore_mem>>) src(%arg7 : memref<16x8x128xf32, #tpu.memory_space<vmem>>) dst(%dma_wait3A_110 : memref<16x8x128xf32, #tpu.memory_space<hbm>>)
      } else {
      }
      %broadcast_in_dim3A_86 = arith.constant 0.000000e+00 : f32
      %broadcast_in_dim3A_87 = vector.broadcast %broadcast_in_dim3A_86 : f32 to vector<16xf32>
      %parallel_loop3A_88 = arith.constant 0 : i32
      %parallel_loop3A_89 = arith.constant 128 : i32
      %parallel_loop3A_90 = arith.constant 1 : i32
      scf.for %parallel_loop3A_104 = %parallel_loop3A_88 to %parallel_loop3A_89 step %parallel_loop3A_90  : i32 {
        %parallel_loop3A_105 = arith.constant 3 : i32
        %parallel_loop3A_106 = arith.shrui %parallel_loop3A_104, %parallel_loop3A_105 : i32
        %parallel_loop3A_107 = arith.constant 7 : i32
        %parallel_loop3A_108 = arith.andi %parallel_loop3A_104, %parallel_loop3A_107 : i32
        %parallel_loop3A_109 = arith.constant 4 : i32
        %parallel_loop3A_110 = arith.shli %parallel_loop3A_108, %parallel_loop3A_109 : i32
        %parallel_loop3A_111 = arith.constant 0 : i32
        %parallel_loop3A_112 = arith.index_cast %parallel_loop3A_106 : i32 to index
        %parallel_loop3A_113 = arith.index_cast %parallel_loop3A_111 : i32 to index
        %parallel_loop3A_114 = arith.index_cast %parallel_loop3A_110 : i32 to index
        %parallel_loop3A_115 = tpu.vector_load %arg5[%parallel_loop3A_112, %parallel_loop3A_113, %parallel_loop3A_114] {strides = array<i32>} : memref<16x7x128xf32, #tpu.memory_space<vmem>>, vector<16xf32>,
        %parallel_loop3A_116 = arith.constant 1 : i32
        %parallel_loop3A_117 = arith.index_cast %parallel_loop3A_106 : i32 to index
        %parallel_loop3A_118 = arith.index_cast %parallel_loop3A_116 : i32 to index
        %parallel_loop3A_119 = arith.index_cast %parallel_loop3A_110 : i32 to index
        %parallel_loop3A_120 = tpu.vector_load %arg5[%parallel_loop3A_117, %parallel_loop3A_118, %parallel_loop3A_119] {strides = array<i32>} : memref<16x7x128xf32, #tpu.memory_space<vmem>>, vector<16xf32>,
        %parallel_loop3A_121 = arith.constant 2 : i32
        %parallel_loop3A_122 = arith.index_cast %parallel_loop3A_106 : i32 to index
        %parallel_loop3A_123 = arith.index_cast %parallel_loop3A_121 : i32 to index
        %parallel_loop3A_124 = arith.index_cast %parallel_loop3A_110 : i32 to index
        %parallel_loop3A_125 = tpu.vector_load %arg5[%parallel_loop3A_122, %parallel_loop3A_123, %parallel_loop3A_124] {strides = array<i32>} : memref<16x7x128xf32, #tpu.memory_space<vmem>>, vector<16xf32>,
        %parallel_loop3A_126 = arith.constant 3 : i32
        %parallel_loop3A_127 = arith.index_cast %parallel_loop3A_106 : i32 to index
        %parallel_loop3A_128 = arith.index_cast %parallel_loop3A_126 : i32 to index
        %parallel_loop3A_129 = arith.index_cast %parallel_loop3A_110 : i32 to index
        %parallel_loop3A_130 = tpu.vector_load %arg5[%parallel_loop3A_127, %parallel_loop3A_128, %parallel_loop3A_129] {strides = array<i32>} : memref<16x7x128xf32, #tpu.memory_space<vmem>>, vector<16xf32>,
        %parallel_loop3A_131 = arith.constant 4 : i32
        %parallel_loop3A_132 = arith.index_cast %parallel_loop3A_106 : i32 to index
        %parallel_loop3A_133 = arith.index_cast %parallel_loop3A_131 : i32 to index
        %parallel_loop3A_134 = arith.index_cast %parallel_loop3A_110 : i32 to index
        %parallel_loop3A_135 = tpu.vector_load %arg5[%parallel_loop3A_132, %parallel_loop3A_133, %parallel_loop3A_134] {strides = array<i32>} : memref<16x7x128xf32, #tpu.memory_space<vmem>>, vector<16xf32>,
        %parallel_loop3A_136 = arith.constant 5 : i32
        %parallel_loop3A_137 = arith.index_cast %parallel_loop3A_106 : i32 to index
        %parallel_loop3A_138 = arith.index_cast %parallel_loop3A_136 : i32 to index
        %parallel_loop3A_139 = arith.index_cast %parallel_loop3A_110 : i32 to index
        %parallel_loop3A_140 = tpu.vector_load %arg5[%parallel_loop3A_137, %parallel_loop3A_138, %parallel_loop3A_139] {strides = array<i32>} : memref<16x7x128xf32, #tpu.memory_space<vmem>>, vector<16xf32>,
        %parallel_loop3A_141 = arith.constant 6 : i32
        %parallel_loop3A_142 = arith.index_cast %parallel_loop3A_106 : i32 to index
        %parallel_loop3A_143 = arith.index_cast %parallel_loop3A_141 : i32 to index
        %parallel_loop3A_144 = arith.index_cast %parallel_loop3A_110 : i32 to index
        %parallel_loop3A_145 = tpu.vector_load %arg5[%parallel_loop3A_142, %parallel_loop3A_143, %parallel_loop3A_144] {strides = array<i32>} : memref<16x7x128xf32, #tpu.memory_space<vmem>>, vector<16xf32>,
        %parallel_loop3A_146 = arith.maximumf %parallel_loop3A_115, %parallel_loop3A_120 : vector<16xf32>
        %parallel_loop3A_147 = arith.maximumf %parallel_loop3A_125, %parallel_loop3A_130 : vector<16xf32>
        %parallel_loop3A_148 = arith.maximumf %parallel_loop3A_135, %parallel_loop3A_140 : vector<16xf32>
        %parallel_loop3A_149 = arith.maximumf %parallel_loop3A_146, %parallel_loop3A_147 : vector<16xf32>
        %parallel_loop3A_150 = arith.maximumf %parallel_loop3A_148, %parallel_loop3A_145 : vector<16xf32>
        %parallel_loop3A_151 = arith.maximumf %parallel_loop3A_149, %parallel_loop3A_150 : vector<16xf32>
        %parallel_loop3A_152 = arith.subf %parallel_loop3A_115, %parallel_loop3A_151 : vector<16xf32>
        %parallel_loop3A_153 = math.exp %parallel_loop3A_152 : vector<16xf32>
        %parallel_loop3A_154 = arith.subf %parallel_loop3A_120, %parallel_loop3A_151 : vector<16xf32>
        %parallel_loop3A_155 = math.exp %parallel_loop3A_154 : vector<16xf32>
        %parallel_loop3A_156 = arith.subf %parallel_loop3A_125, %parallel_loop3A_151 : vector<16xf32>
        %parallel_loop3A_157 = math.exp %parallel_loop3A_156 : vector<16xf32>
        %parallel_loop3A_158 = arith.subf %parallel_loop3A_130, %parallel_loop3A_151 : vector<16xf32>
        %parallel_loop3A_159 = math.exp %parallel_loop3A_158 : vector<16xf32>
        %parallel_loop3A_160 = arith.subf %parallel_loop3A_135, %parallel_loop3A_151 : vector<16xf32>
        %parallel_loop3A_161 = math.exp %parallel_loop3A_160 : vector<16xf32>
        %parallel_loop3A_162 = arith.subf %parallel_loop3A_140, %parallel_loop3A_151 : vector<16xf32>
        %parallel_loop3A_163 = math.exp %parallel_loop3A_162 : vector<16xf32>
        %parallel_loop3A_164 = arith.subf %parallel_loop3A_145, %parallel_loop3A_151 : vector<16xf32>
        %parallel_loop3A_165 = math.exp %parallel_loop3A_164 : vector<16xf32>
        %parallel_loop3A_166 = arith.addf %parallel_loop3A_153, %parallel_loop3A_155 : vector<16xf32>
        %parallel_loop3A_167 = arith.addf %parallel_loop3A_157, %parallel_loop3A_159 : vector<16xf32>
        %parallel_loop3A_168 = arith.addf %parallel_loop3A_161, %parallel_loop3A_163 : vector<16xf32>
        %parallel_loop3A_169 = arith.addf %parallel_loop3A_166, %parallel_loop3A_167 : vector<16xf32>
        %parallel_loop3A_170 = arith.addf %parallel_loop3A_168, %parallel_loop3A_165 : vector<16xf32>
        %parallel_loop3A_171 = arith.addf %parallel_loop3A_169, %parallel_loop3A_170 : vector<16xf32>
        %parallel_loop3A_172 = arith.constant 3.906250e-03 : f32
        %parallel_loop3A_173 = vector.broadcast %parallel_loop3A_172 : f32 to vector<16xf32>
        %parallel_loop3A_174 = arith.divf %parallel_loop3A_173, %parallel_loop3A_171 : vector<16xf32>
        %parallel_loop3A_175 = arith.mulf %parallel_loop3A_153, %parallel_loop3A_174 : vector<16xf32>
        %parallel_loop3A_176 = arith.constant 0 : i32
        %parallel_loop3A_177 = arith.index_cast %parallel_loop3A_106 : i32 to index
        %parallel_loop3A_178 = arith.index_cast %parallel_loop3A_176 : i32 to index
        %parallel_loop3A_179 = arith.index_cast %parallel_loop3A_110 : i32 to index
        %parallel_loop3A_180 = tpu.vector_load %arg7[%parallel_loop3A_177, %parallel_loop3A_178, %parallel_loop3A_179] {strides = array<i32>} : memref<16x8x128xf32, #tpu.memory_space<vmem>>, vector<16xf32>,
        tpu.vector_store %arg7[%parallel_loop3A_177, %parallel_loop3A_178, %parallel_loop3A_179], %parallel_loop3A_175 {strides = array<i32>} : memref<16x8x128xf32, #tpu.memory_space<vmem>>, vector<16xf32>,
        %parallel_loop3A_181 = arith.mulf %parallel_loop3A_155, %parallel_loop3A_174 : vector<16xf32>
        %parallel_loop3A_182 = arith.constant 1 : i32
        %parallel_loop3A_183 = arith.index_cast %parallel_loop3A_106 : i32 to index
        %parallel_loop3A_184 = arith.index_cast %parallel_loop3A_182 : i32 to index
        %parallel_loop3A_185 = arith.index_cast %parallel_loop3A_110 : i32 to index
        %parallel_loop3A_186 = tpu.vector_load %arg7[%parallel_loop3A_183, %parallel_loop3A_184, %parallel_loop3A_185] {strides = array<i32>} : memref<16x8x128xf32, #tpu.memory_space<vmem>>, vector<16xf32>,
        tpu.vector_store %arg7[%parallel_loop3A_183, %parallel_loop3A_184, %parallel_loop3A_185], %parallel_loop3A_181 {strides = array<i32>} : memref<16x8x128xf32, #tpu.memory_space<vmem>>, vector<16xf32>,
        %parallel_loop3A_187 = arith.mulf %parallel_loop3A_157, %parallel_loop3A_174 : vector<16xf32>
        %parallel_loop3A_188 = arith.constant 2 : i32
        %parallel_loop3A_189 = arith.index_cast %parallel_loop3A_106 : i32 to index
        %parallel_loop3A_190 = arith.index_cast %parallel_loop3A_188 : i32 to index
        %parallel_loop3A_191 = arith.index_cast %parallel_loop3A_110 : i32 to index
        %parallel_loop3A_192 = tpu.vector_load %arg7[%parallel_loop3A_189, %parallel_loop3A_190, %parallel_loop3A_191] {strides = array<i32>} : memref<16x8x128xf32, #tpu.memory_space<vmem>>, vector<16xf32>,
        tpu.vector_store %arg7[%parallel_loop3A_189, %parallel_loop3A_190, %parallel_loop3A_191], %parallel_loop3A_187 {strides = array<i32>} : memref<16x8x128xf32, #tpu.memory_space<vmem>>, vector<16xf32>,
        %parallel_loop3A_193 = arith.mulf %parallel_loop3A_159, %parallel_loop3A_174 : vector<16xf32>
        %parallel_loop3A_194 = arith.constant 3 : i32
        %parallel_loop3A_195 = arith.index_cast %parallel_loop3A_106 : i32 to index
        %parallel_loop3A_196 = arith.index_cast %parallel_loop3A_194 : i32 to index
        %parallel_loop3A_197 = arith.index_cast %parallel_loop3A_110 : i32 to index
        %parallel_loop3A_198 = tpu.vector_load %arg7[%parallel_loop3A_195, %parallel_loop3A_196, %parallel_loop3A_197] {strides = array<i32>} : memref<16x8x128xf32, #tpu.memory_space<vmem>>, vector<16xf32>,
        tpu.vector_store %arg7[%parallel_loop3A_195, %parallel_loop3A_196, %parallel_loop3A_197], %parallel_loop3A_193 {strides = array<i32>} : memref<16x8x128xf32, #tpu.memory_space<vmem>>, vector<16xf32>,
        %parallel_loop3A_199 = arith.mulf %parallel_loop3A_161, %parallel_loop3A_174 : vector<16xf32>
        %parallel_loop3A_200 = arith.constant 4 : i32
        %parallel_loop3A_201 = arith.index_cast %parallel_loop3A_106 : i32 to index
        %parallel_loop3A_202 = arith.index_cast %parallel_loop3A_200 : i32 to index
        %parallel_loop3A_203 = arith.index_cast %parallel_loop3A_110 : i32 to index
        %parallel_loop3A_204 = tpu.vector_load %arg7[%parallel_loop3A_201, %parallel_loop3A_202, %parallel_loop3A_203] {strides = array<i32>} : memref<16x8x128xf32, #tpu.memory_space<vmem>>, vector<16xf32>,
        tpu.vector_store %arg7[%parallel_loop3A_201, %parallel_loop3A_202, %parallel_loop3A_203], %parallel_loop3A_199 {strides = array<i32>} : memref<16x8x128xf32, #tpu.memory_space<vmem>>, vector<16xf32>,
        %parallel_loop3A_205 = arith.mulf %parallel_loop3A_163, %parallel_loop3A_174 : vector<16xf32>
        %parallel_loop3A_206 = arith.constant 5 : i32
        %parallel_loop3A_207 = arith.index_cast %parallel_loop3A_106 : i32 to index
        %parallel_loop3A_208 = arith.index_cast %parallel_loop3A_206 : i32 to index
        %parallel_loop3A_209 = arith.index_cast %parallel_loop3A_110 : i32 to index
        %parallel_loop3A_210 = tpu.vector_load %arg7[%parallel_loop3A_207, %parallel_loop3A_208, %parallel_loop3A_209] {strides = array<i32>} : memref<16x8x128xf32, #tpu.memory_space<vmem>>, vector<16xf32>,
        tpu.vector_store %arg7[%parallel_loop3A_207, %parallel_loop3A_208, %parallel_loop3A_209], %parallel_loop3A_205 {strides = array<i32>} : memref<16x8x128xf32, #tpu.memory_space<vmem>>, vector<16xf32>,
        %parallel_loop3A_211 = arith.mulf %parallel_loop3A_165, %parallel_loop3A_174 : vector<16xf32>
        %parallel_loop3A_212 = arith.constant 6 : i32
        %parallel_loop3A_213 = arith.index_cast %parallel_loop3A_106 : i32 to index
        %parallel_loop3A_214 = arith.index_cast %parallel_loop3A_212 : i32 to index
        %parallel_loop3A_215 = arith.index_cast %parallel_loop3A_110 : i32 to index
        %parallel_loop3A_216 = tpu.vector_load %arg7[%parallel_loop3A_213, %parallel_loop3A_214, %parallel_loop3A_215] {strides = array<i32>} : memref<16x8x128xf32, #tpu.memory_space<vmem>>, vector<16xf32>,
        tpu.vector_store %arg7[%parallel_loop3A_213, %parallel_loop3A_214, %parallel_loop3A_215], %parallel_loop3A_211 {strides = array<i32>} : memref<16x8x128xf32, #tpu.memory_space<vmem>>, vector<16xf32>,
        %parallel_loop3A_217 = arith.constant 7 : i32
        %parallel_loop3A_218 = arith.index_cast %parallel_loop3A_106 : i32 to index
        %parallel_loop3A_219 = arith.index_cast %parallel_loop3A_217 : i32 to index
        %parallel_loop3A_220 = arith.index_cast %parallel_loop3A_110 : i32 to index
        %parallel_loop3A_221 = tpu.vector_load %arg7[%parallel_loop3A_218, %parallel_loop3A_219, %parallel_loop3A_220] {strides = array<i32>} : memref<16x8x128xf32, #tpu.memory_space<vmem>>, vector<16xf32>,
        tpu.vector_store %arg7[%parallel_loop3A_218, %parallel_loop3A_219, %parallel_loop3A_220], %broadcast_in_dim3A_87 {strides = array<i32>} : memref<16x8x128xf32, #tpu.memory_space<vmem>>, vector<16xf32>,
      } {sc.loop_unroll_factor = 2 : i64, sc.parallel_access}
      %dma_start3A_91 = arith.constant 0 : i32
      %dma_start3A_92 = arith.constant 0 : i32
      %dma_start3A_93 = tpu.memref_slice %arg3[%add3A_74, %dma_start3A_91, %dma_start3A_92] : memref<4096x8x128xf32, #tpu.memory_space<hbm>> -> memref<16x8x128xf32, #tpu.memory_space<hbm>>
      %dma_start3A_94 = arith.constant 0 : i32
      %dma_start3A_95 = arith.constant 0 : i32
      %dma_start3A_96 = tpu.memref_slice %arg3[%add3A_74, %dma_start3A_94, %dma_start3A_95] : memref<4096x8x128xf32, #tpu.memory_space<hbm>> -> memref<16x8x128xf32, #tpu.memory_space<hbm>>
      tpu.enqueue_dma source(%arg7 : memref<16x8x128xf32, #tpu.memory_space<vmem>>) target(%dma_start3A_96 : memref<16x8x128xf32, #tpu.memory_space<hbm>>) target_semaphore(%arg11 : memref<!tpu.dma_semaphore, #tpu.memory_space<semaphore_mem>>)
      %add3A_97 = arith.constant 2 : i32
      %add3A_98 = arith.addi %add3A_71, %add3A_97 : i32
      %lt3A_99 = arith.constant 8 : i32
      %lt3A_100 = arith.cmpi slt, %add3A_98, %lt3A_99 : i32
      %convert_element_type3A_101 = arith.extui %lt3A_100 : i1 to i32
      %cond3A_102 = arith.constant 0 : i32
      %cond3A_103 = arith.cmpi ne, %convert_element_type3A_101, %cond3A_102 : i32
      scf.if %cond3A_103 {
        %add3A_104 = arith.constant 32 : i32
        %add3A_105 = arith.addi %add3A_74, %add3A_104 : i32
        %dma_start3A_106 = arith.constant 0 : i32
        %dma_start3A_107 = arith.constant 0 : i32
        %dma_start3A_108 = tpu.memref_slice %arg2[%add3A_105, %dma_start3A_106, %dma_start3A_107] : memref<4096x8x128xf32, #tpu.memory_space<hbm>> -> memref<16x7x128xf32, #tpu.memory_space<hbm>>
        %dma_start3A_109 = arith.constant 0 : i32
        %dma_start3A_110 = arith.constant 0 : i32
        %dma_start3A_111 = tpu.memref_slice %arg2[%add3A_105, %dma_start3A_109, %dma_start3A_110] : memref<4096x8x128xf32, #tpu.memory_space<hbm>> -> memref<16x7x128xf32, #tpu.memory_space<hbm>>
        tpu.enqueue_dma source(%dma_start3A_111 : memref<16x7x128xf32, #tpu.memory_space<hbm>>) target(%arg5 : memref<16x7x128xf32, #tpu.memory_space<vmem>>) target_semaphore(%arg9 : memref<!tpu.dma_semaphore, #tpu.memory_space<semaphore_mem>>)
      } else {
      }
    }
    %scan3A_21 = arith.constant 4 : i32
    %add3A_22 = arith.constant 96 : i32
    %add3A_23 = arith.addi %mul3A_2, %add3A_22 : i32
    %dma_wait3A = arith.constant 0 : i32
    %dma_wait3A_24 = arith.constant 0 : i32
    %dma_wait3A_25 = tpu.memref_slice %arg3[%add3A_23, %dma_wait3A, %dma_wait3A_24] : memref<4096x8x128xf32, #tpu.memory_space<hbm>> -> memref<16x8x128xf32, #tpu.memory_space<hbm>>
    %dma_wait3A_26 = arith.constant 0 : i32
    %dma_wait3A_27 = arith.constant 0 : i32
    %dma_wait3A_28 = tpu.memref_slice %arg3[%add3A_23, %dma_wait3A_26, %dma_wait3A_27] : memref<4096x8x128xf32, #tpu.memory_space<hbm>> -> memref<16x8x128xf32, #tpu.memory_space<hbm>>
    tpu.wait_dma2 semaphore(%arg10 : memref<!tpu.dma_semaphore, #tpu.memory_space<semaphore_mem>>) src(%arg6 : memref<16x8x128xf32, #tpu.memory_space<vmem>>) dst(%dma_wait3A_28 : memref<16x8x128xf32, #tpu.memory_space<hbm>>)
    %add3A_29 = arith.constant 112 : i32
    %add3A_30 = arith.addi %mul3A_2, %add3A_29 : i32
    %dma_wait3A_31 = arith.constant 0 : i32
    %dma_wait3A_32 = arith.constant 0 : i32
    %dma_wait3A_33 = tpu.memref_slice %arg3[%add3A_30, %dma_wait3A_31, %dma_wait3A_32] : memref<4096x8x128xf32, #tpu.memory_space<hbm>> -> memref<16x8x128xf32, #tpu.memory_space<hbm>>
    %dma_wait3A_34 = arith.constant 0 : i32
    %dma_wait3A_35 = arith.constant 0 : i32
    %dma_wait3A_36 = tpu.memref_slice %arg3[%add3A_30, %dma_wait3A_34, %dma_wait3A_35] : memref<4096x8x128xf32, #tpu.memory_space<hbm>> -> memref<16x8x128xf32, #tpu.memory_space<hbm>>
    tpu.wait_dma2 semaphore(%arg11 : memref<!tpu.dma_semaphore, #tpu.memory_space<semaphore_mem>>) src(%arg7 : memref<16x8x128xf32, #tpu.memory_space<vmem>>) dst(%dma_wait3A_36 : memref<16x8x128xf32, #tpu.memory_space<hbm>>)
    return
  }
}

</mosaic_0001>

<sc_bundles>
// kernel: kernel.3.cloned.1.call-start
scs
__scs_entry_jumppad:
0x0: {  	(pc) =	sbr.rel $0x88, $3  }
0x1: {  	(tag) =	ssettag $0x0;
	lr =	simm.s32 $0x1  }
0x2: {  	[smem:$0x3FA0] =	sst lr;
	_ =	strace $0xD0000000  }
0x3: {  	_ = 	snop  }
0x4: {  	_ = 	snop  }
0x5: {  	_ = 	snop  }
0x6: {  	_ = 	snop  }
0x7: {  	_ = 	snop  }
__scs_overlays_trampoline_lowered:
0x8: {  	[smem:$0x3FAF] =	sst s0  }
0x9: {  	[smem:$0x3FB0] =	sst s1  }
0xa: {  	[smem:$0x3FB1] =	sst s2  }
0xb: {  	[smem:$0x3FB2] =	sst s3  }
0xc: {  	[smem:$0x3FB3] =	sst s4  }
0xd: {  	[smem:$0x3FB4] =	sst s5  }
0xe: {  	[smem:$0x3FB5] =	sst s6  }
0xf: {  	[smem:$0x3FB6] =	sst s7  }
0x10: {  	[smem:$0x3FB7] =	sst s8  }
0x11: {  	[smem:$0x3FB8] =	sst s9;
	s0 =	simm.s32 @!p0 $0x0  }
0x12: {  	s1 =	sld [smem:$0x3F9E];
	s0 =	simm.s32 @p0 $0x1  }
0x13: {  	[smem:$0x3FB9] =	sst s0;
	s0 =	simm.s32 @!p1 $0x0  }
0x14: {  	s2 =	sld [smem:$0x3F9D];
	s0 =	simm.s32 @p1 $0x1  }
0x15: {  	[smem:$0x3FBA] =	sst s0;
	s0 =	simm.s32 @!p2 $0x0  }
0x16: {  	s3 =	sld [smem:$0x3FDB];
	s0 =	simm.s32 @p2 $0x1  }
0x17: {  	s4 =	simm.s32 $0x1BF5;
	[smem:$0x3FBC] =	sst s0  }
0x18: {  	s0 =	sld [smem:$0x3F9F];
	_ =	swait.ge [sflag:s4], $0x0  }
0x19: {  	s7 =	sld [smem:$0x3FA0]  }
0x1a: {  	s8 =	sadd.s32 $0xFFFFE003, lr  }
0x1b: {  	s9 =	sadd.s32 $0xFFFFFEF7, lr;
	s5 =	simm.s32 $0xFFFFFFFF;
	p2 =	slt.u32 s8, $0xFFFFF086  }
0x1c: {  	p1 =	slt.u32 s9, $0xF7A;
	s5 =	simm.s32 @!p2 $0x0  }
0x1d: {  	s5 =	simm.s32 @p1 $0x1;
	p0 =	seq.s32 s7, s2  }
0x1e: {  	s7 =	smul.u32 @!p0 $0xF7A, s2;
	p2 =	seq.s32 @!p0 s5, $0x0  }
0x1f: {  	s9 =	smul.u32 $0xF7A, s1;
	s8 =	simm.s32 @!p0 $0x1BF5;
	p2 =	por !p2, p0  }
0x20: {  	[sflag:s8] =	ssyncset.s32 @!p0 $0xFFFFF086;
	s6 =	sadd.s32 @!p0 s3, s7;
	s7 =	simm.s32 @!p0 $0x108  }
0x21: {  	s3 =	sadd.s32 s3, s9;
	s6 =	sadd.s32 @!p0 $0x88, s6;
	s7 =	simm.s32 @p2 $0x1082  }
0x22: {  	[simem:s7], [sflag:s8] =	dma.local @!p0 [hbm:s6], $0xF7A  }
0x23: {  	s9 =	sor.u32 $0xD0000000, s2;
	s6 =	simm.s32 $0x108;
	_ =	swait.ge @!p0 [sflag:s8], $0x0  }
0x24: {  	s3 =	sadd.s32 $0x88, s3;
	s6 =	simm.s32 @!p1 $0x1082;
	[sflag:s4] =	ssyncset.s32 $0xFFFFF086  }
0x25: {  	[simem:s6], [sflag:s4] =	dma.local [hbm:s3], $0xF7A  }
0x26: {  	[smem:$0x3FA0] =	sst s1;
	(tag) =	ssettag s2;
	_ =	strace s9  }
0x27: {  	s1 =	sld [smem:$0x3FB0]  }
0x28: {  	s2 =	sld [smem:$0x3FB1]  }
0x29: {  	s4 =	sld [smem:$0x3FB3]  }
0x2a: {  	p0 =	seq.s32 s5, $0x0;
	s5 =	sld [smem:$0x3FB4]  }
0x2b: {  	s6 =	sld [smem:$0x3FB5]  }
0x2c: {  	s7 =	sld [smem:$0x3FB6]  }
0x2d: {  	s3 =	simm.s32 $0x108;
	s8 =	sld [smem:$0x3FB7]  }
0x2e: {  	s3 =	simm.s32 @!p0 $0x1082;
	s9 =	sld [smem:$0x3FB8]  }
0x2f: {  	lr =	sadd.s32 s0, s3;
	s0 =	sld [smem:$0x3FAF]  }
0x30: {  	s3 =	sld [smem:$0x3FB2]  }
0x31: {  	[smem:$0x3FBB] =	sst s10  }
0x32: {  	s10 =	sld [smem:$0x3FB9];
	_ =	sdelay $0x3  }
0x33: {  	p0 =	seq.s32 s10, $0x1;
	s10 =	sld [smem:$0x3FBB];
	_ =	sdelay $0x3  }
0x34: {  	[smem:$0x3FBB] =	sst s10  }
0x35: {  	s10 =	sld [smem:$0x3FBA];
	_ =	sdelay $0x3  }
0x36: {  	p1 =	seq.s32 s10, $0x1;
	s10 =	sld [smem:$0x3FBB];
	_ =	sdelay $0x3  }
0x37: {  	[smem:$0x3FBB] =	sst s10  }
0x38: {  	s10 =	sld [smem:$0x3FBC]  }
0x39: {  	_ = 	snop;
	(pc) =	sbr.ind lr, $3  }
0x3a: {  	_ = 	snop  }
0x3b: {  	_ = 	snop  }
0x3c: {  	p2 =	seq.s32 s10, $0x1;
	s10 =	sld [smem:$0x3FBB]  }
0x3d: {  	_ =	shalt  }
0x3e: {  	_ =	shalt  }
0x3f: {  	_ =	shalt  }
0x40: {  	_ =	shalt  }
0x41: {  	_ =	shalt  }
0x42: {  	_ =	shalt  }
0x43: {  	_ =	shalt  }
0x44: {  	_ =	shalt  }
0x45: {  	_ =	shalt  }
0x46: {  	_ =	shalt  }
0x47: {  	_ =	shalt  }
0x48: {  	_ =	shalt  }
0x49: {  	_ =	shalt  }
0x4a: {  	_ =	shalt  }
0x4b: {  	_ =	shalt  }
0x4c: {  	_ =	shalt  }
0x4d: {  	_ =	shalt  }
0x4e: {  	_ =	shalt  }
0x4f: {  	_ =	shalt  }
0x50: {  	_ =	shalt  }
0x51: {  	_ =	shalt  }
0x52: {  	_ =	shalt  }
0x53: {  	_ =	shalt  }
0x54: {  	_ =	shalt  }
0x55: {  	_ =	shalt  }
0x56: {  	_ =	shalt  }
0x57: {  	_ =	shalt  }
0x58: {  	_ =	shalt  }
0x59: {  	_ =	shalt  }
0x5a: {  	_ =	shalt  }
0x5b: {  	_ =	shalt  }
0x5c: {  	_ =	shalt  }
0x5d: {  	_ =	shalt  }
0x5e: {  	_ =	shalt  }
0x5f: {  	_ =	shalt  }
0x60: {  	_ =	shalt  }
0x61: {  	_ =	shalt  }
0x62: {  	_ =	shalt  }
0x63: {  	_ =	shalt  }
0x64: {  	_ =	shalt  }
0x65: {  	_ =	shalt  }
0x66: {  	_ =	shalt  }
0x67: {  	_ =	shalt  }
0x68: {  	_ =	shalt  }
0x69: {  	_ =	shalt  }
0x6a: {  	_ =	shalt  }
0x6b: {  	_ =	shalt  }
0x6c: {  	_ =	shalt  }
0x6d: {  	_ =	shalt  }
0x6e: {  	_ =	shalt  }
0x6f: {  	_ =	shalt  }
0x70: {  	_ =	shalt  }
0x71: {  	_ =	shalt  }
0x72: {  	_ =	shalt  }
0x73: {  	_ =	shalt  }
0x74: {  	_ =	shalt  }
0x75: {  	_ =	shalt  }
0x76: {  	_ =	shalt  }
0x77: {  	_ =	shalt  }
0x78: {  	_ =	shalt  }
0x79: {  	_ =	shalt  }
0x7a: {  	_ =	shalt  }
0x7b: {  	_ =	shalt  }
0x7c: {  	_ =	shalt  }
0x7d: {  	_ =	shalt  }
0x7e: {  	_ =	shalt  }
0x7f: {  	_ =	shalt  }
0x80: {  	_ =	shalt  }
0x81: {  	_ =	shalt  }
0x82: {  	_ =	shalt  }
0x83: {  	_ =	shalt  }
0x84: {  	_ =	shalt  }
0x85: {  	_ =	shalt  }
0x86: {  	_ =	shalt  }
0x87: {  	_ =	shalt  }
.Lfunc_end0:
.L_simem_size_0:
called_computation_lowered:
.L_overlay_start_0:
0x88: {  	s2 =	sld [smem:$0x3FD9]  }
0x89: {  	s3 =	sld [smem:$0x3FFE];
	_ =	sdelay $0x1  }
0x8a: {  	s1 =	srdreg.scid  }
0x8b: {  	s0 =	sand.u32 $0x1, s1  }
0x8c: {  	s18 =	sshll.u32 s0, $0xA;
	s2 =	sadd.s32 s3, s2  }
0x8d: {  	s2 =	sadd.s32 s2, s18  }
0x8e: {  	[smem:$0x3FC7] =	sst s2  }
0x8f: {  	_ = 	snop  }
0x90: {  	s2 =	sld [smem:$0x3FC9]  }
0x91: {  	s19 =	sld [smem:$0x3FD0];
	(tm) =	ssettm $0x1  }
0x92: {  	s4 =	sld [smem:$0x3FFB];
	_ =	sdelay $0x3  }
0x93: {  	_ =	strace s4  }
0x94: {  	s4 =	sld [smem:$0x3FFC];
	_ =	sdelay $0x3  }
0x95: {  	_ =	strace s4  }
0x96: {  	s4 =	sld [smem:$0x3FFD];
	_ =	sdelay $0x3  }
0x97: {  	_ =	strace s4  }
0x98: {  	_ =	strace $0x8FFFFFFF  }
0x99: {  	s20 =	sld [smem:$0x3FDB];
	_ =	sdelay $0x1  }
0x9a: {  	s5 =	simm.s32 $_scs_section_size  }
0x9b: {  	s6 =	simm.s32 $_size__tile_overlayer_lowered;
	s7 =	simm.s32 $_tile_overlayer_lowered  }
0x9c: {  	s23 =	simm.s32 $0x1BFF;
	s22 =	sshll.u32 s7, $0x1;
	s4 =	sadd.s32 s5, s20  }
0x9d: {  	s8 =	simm.s32 $0x0;
	s21 =	sshll.u32 s6, $0x1;
	s6 =	sadd.s32 s22, s4  }
0x9e: {  	[timem:s8], [sflag:s23] =	dma.local [hbm:s6], s21  }
0x9f: {  	_ =	swait.ge [sflag:s23], s21  }
0xa0: {  	s5 =	ssub.s32 $0x0, s21;
	[sflag:s23] =	ssyncset.done $0x0  }
0xa1: {  	[sflag:s23] =	ssyncadd.s32 s5;
	_ =	sdelay $0x1  }
0xa2: {  	s24 =	simm.s32 $0x1B8B  }
0xa3: {  	_ =	swait.ge [sflag:s24], $0x1  }
0xa4: {  	[sflag:s24] =	ssyncset.done $0x0  }
0xa5: {  	s25 =	simm.s32 $0x1B8E;
	[sflag:s24] =	ssyncadd.s32 $0xFFFFFFFF  }
0xa6: {  	s26 =	simm.s32 $execute0_lowered;
	[smem:$0x3FD2] =	sst s25  }
0xa7: {  	s5 =	sshll.u32 s26, $0x1;
	_ =	strace $0x80000046;
	[dreg:$0x1] =	wrdreg $0xFFFFFFFF  }
0xa8: {  	s28 =	simm.s32 $_size_execute0_lowered;
	s4 =	sadd.s32 s4, s5;
	[dreg:$0x0] =	wrdreg $0x0  }
0xa9: {  	s5 =	sshll.u32 s28, $0x1;
	[dreg:$0x2] =	wrdreg s4  }
0xaa: {  	[dreg:$0x3] =	wrdreg s5  }
0xab: {  	[dreg:$0x4] =	wrdreg $0xC0  }
0xac: {  	_ =	task [dreg:s8], $0x5FFFF  }
0xad: {  	[dreg:$0x1] =	wrdreg $0xFFFFFFFF  }
0xae: {  	[dreg:$0x0] =	wrdreg $0x60  }
0xaf: {  	[dreg:$0x2] =	wrdreg s2  }
0xb0: {  	[dreg:$0x3] =	wrdreg s19  }
0xb1: {  	[dreg:$0x4] =	wrdreg $0x9  }
0xb2: {  	_ =	task.clear_ibuf [dreg:s8], $0x5FFFF;
	_ =	strace $0x90000046  }
0xb3: {  	s29 =	simm.s32 $0x9;
	_ =	strace $0x80000048  }
0xb4: {  	_ =	swait.ge [sflag:s29], $0x1  }
0xb5: {  	[sflag:s29] =	ssyncadd.s32 $0xFFFFFFFF  }
0xb6: {  	_ =	strace $0x90000048  }
0xb7: {  	_ =	sfence  }
0xb8: {  	s30 =	sld [smem:$0x0];
	_ =	sdelay $0x2  }
0xb9: {  	s31 =	sshll.u32 s1, $0xD;
	s1 =	sshrl.u32 s1, $0x2  }
0xba: {  	s3 =	sand.u32 $0x4000, s31;
	s1 =	sadd.s32 s1, s30  }
0xbb: {  	s0 =	sor.u32 s3, s0;
	s1 =	sshll.u32 s1, $0x11  }
0xbc: {  	s0 =	sor.u32 s1, s0  }
0xbd: {  	s0 =	sadd.s32 $0x8F2B, s0  }
0xbe: {  	[sflag:s0] =	ssyncadd.remote.s32 $0x1  }
0xbf: {  	_ =	sfence.sel $0xFFFF  }
0xc0: {  	[dreg:$0x0] =	wrdreg $0xFFFFFFFF;
	(pc) =	sbr.abs _section_cstart, $3  }
0xc1: {  	[dreg:$0x1] =	wrdreg $0xFFFFFFFF  }
0xc2: {  	_ =	task.clear_ibuf [dreg:s8], $0x2FFFF;
	_ =	strace $0x9FFFFFFF  }
0xc3: {  	(tm) =	ssettm $0x7FFFFFFF  }
tec
execute0_lowered:
.L_overlay_start_1:
0x0: {  	(tag) =	ssettag $0x1  }
0x1: {  	s0 =	rddreg [dreg:$0x0]  }
0x2: {  	s1 =	srdreg.scid;
	s2 =	stileid.u32;
	s3 =	simm.s32 $0x0  }
0x3: {  	s12 =	simm.s32 $0x1;
	s14 =	simm.s32 $0x2;
	s1 =	sand.u32 $0x1, s1  }
0x4: {  	s4 =	sshll.u32 s2, $0xF;
	[smem:$0x7FF] =	sst s3;
	s5 =	sshll.u32 s1, $0xE  }
.Ltmp0:
0x5: {  	s1 =	ssub.s32 $0x2, s1;
	s4 =	sor.u32 s5, s4;
	(pc) =	sbr.rel .LBB2_1-.Ltmp0, $4  }
0x6: {  	_ =	strace $0x80000047;
	s29 =	sshrl.u32 s1, $0x1;
	s30 =	sadd.s32 s0, s4  }
0x7: {  	s1 =	ssub.s32 s1, s29;
	[dreg:$0x3] =	wrdreg s30;
	s2 =	sadd.s32 $0x800, s30  }
0x8: {  	s15 =	simm.s32 $0x4;
	s31 =	smax.u32 s1, $0x1;
	[dreg:$0x4] =	wrdreg s2  }
0x9: {  	v0 =	vimm.f32 $0.0e+00;
	s7 =	sadd.s32 $0x1000, s0;
	s1 =	simm.s32 $0x0;
	[dreg:$0x5] =	wrdreg s31  }
.LBB2_12:
0xa: {  	s0 =	simm.s32 $0x3  }
0xb: {  	_ =	swait.ge [sflag:s0], $0x4000  }
0xc: {  	[sflag:s0] =	ssyncset.done $0x0  }
0xd: {  	[sflag:s0] =	ssyncadd.s32 $0xFFFFC000  }
0xe: {  	_ =	swait.ge [sflag:s15], $0x4000  }
0xf: {  	s1 =	rddreg [dreg:$0x6]  }
0x10: {  	s31 =	rddreg [dreg:$0x5];
	s1 =	sadd.s32 $0x1, s1  }
0x11: {  	p0 =	sne.s32 s1, s31  }
.Ltmp1:
0x12: {  	_ = 	snop;
	(pc) =	sbr.rel @!p0 .LBB2_13-.Ltmp1, $3  }
0x13: {  	_ =	sdelay $0x1  }
0x14: {  	[sflag:s15] =	ssyncset.done $0x0  }
0x15: {  	[sflag:s15] =	ssyncadd.s32 $0xFFFFC000  }
.LBB2_1:
0x16: {  	[dreg:$0x6] =	wrdreg s1  }
0x17: {  	s0 =	rddreg [dreg:$0x3];
	s30 =	simm.s32 $0x380;
	s2 =	simm.s32 $0x400  }
0x18: {  	[tilespmem:s3], [sflag:$0x1] =	stream.strided.gather [hbm4b:s0+s30], $0x3800, s2, s30, $0x38;
	[tilespmem:$0xF000] =	vst v63  }
0x19: {  	s31 =	rddreg [dreg:$0x4];
	s5 =	simm.s32 $0x3800;
	s19 =	simm.s32 $0x0  }
0x1a: {  	[tilespmem:s5], [sflag:$0x2] =	stream.strided.gather [hbm4b:s31+s30], $0x3800, s2, s30, $0x38;
	[tilespmem:$0xF000] =	vst v63  }
.LBB2_2:
0x1b: {  	_ =	swait.ge [sflag:s12], $0x3800;
	s0 =	simm.s32 $0x0  }
0x1c: {  	p0 =	seq.s32 s19, $0x0;
	[sflag:s12] =	ssyncset.done $0x0;
	s0 =	smul.u32 $0xE00, s0  }
0x1d: {  	s1 =	simm.s32 @!p0 $0x3;
	[sflag:s12] =	ssyncadd.s32 $0xFFFFC800  }
0x1e: {  	s5 =	simm.s32 $0x0;
	_ =	swait.ge @!p0 [sflag:s1], $0x4000;
	s0 =	sshra.s32 s0, $0x2  }
0x1f: {  	s20 =	sand.u32 $0x60, s5;
	[sflag:s1] =	ssyncset.done @!p0 $0x0;
	s29 =	sadd.s32 $0x80, s0  }
0x20: {  	s30 =	sadd.s32 $0x200, s0;
	[sflag:s1] =	ssyncadd.s32 @!p0 $0xFFFFC000;
	s6 =	sor.u32 s20, s29  }
0x21: {  	s31 =	sor.u32 s20, s30;
	v1 =	vld [tilespmem:s6+$0x0]  }
0x22: {  	s21 =	sor.u32 $0x10, s20;
	s8 =	sadd.s32 $0x180, s0;
	s22 =	sor.u32 s20, s0;
	v2 =	vld [tilespmem:s31+$0x0]  }
0x23: {  	s2 =	sadd.s32 $0x100, s0;
	s23 =	sor.u32 s21, s8;
	v3 =	vld [tilespmem:s22+$0x0]  }
0x24: {  	s9 =	sor.u32 s20, s2;
	v4 =	vld [tilespmem:s23+$0x0]  }
0x25: {  	s10 =	sor.u32 s21, s0;
	v5 =	vld [tilespmem:s9+$0x0]  }
0x26: {  	s11 =	sadd.s32 $0x280, s0;
	s5 =	sor.u32 s21, s29;
	v6 =	vld [tilespmem:s10+$0x0]  }
0x27: {  	s13 =	sor.u32 s20, s11;
	v7 =	vld [tilespmem:s5+$0x0]  }
0x28: {  	s1 =	sor.u32 s21, s30;
	v9 =	vld [tilespmem:s13+$0x0]  }
0x29: {  	s0 =	sadd.s32 $0x300, s0;
	s16 =	sor.u32 s20, s8;
	v10 =	vld [tilespmem:s1+$0x0]  }
0x2a: {  	s17 =	sor.u32 s20, s0;
	v11 =	vld [tilespmem:s16+$0x0]  }
0x2b: {  	s18 =	sor.u32 s21, s11;
	v8 =	vld [tilespmem:s17+$0x0]  }
0x2c: {  	s22 =	sor.u32 s21, s2;
	v12 =	vld [tilespmem:s18+$0x0]  }
0x2d: {  	s23 =	simm.s32 $0x0;
	v13 =	vld [tilespmem:s22+$0x0]  }
0x2e: {  	s0 =	sor.u32 s21, s0;
	s24 =	smul.u32 $0xE00, s23  }
0x2f: {  	v14 =	vld [tilespmem:s0+$0x0]  }
0x30: {  	s25 =	simm.s32 $0x20;
	s1 =	sshra.s32 s24, $0x2;
	v15 =	vmax.f32 v3, v1;
	v16 =	vmax.f32 v2, v9;
	v17 =	vmax.f32 v5, v11  }
0x31: {  	s24 =	sand.u32 $0x60, s25;
	s26 =	sadd.s32 $0x80, s1;
	v16 =	vmax.f32 v16, v8;
	v15 =	vmax.f32 v15, v17;
	v17 =	vmax.f32 v6, v7  }
0x32: {  	s22 =	sor.u32 $0x10, s24;
	s30 =	sor.u32 s24, s26;
	v18 =	vmax.f32 v13, v4;
	v15 =	vmax.f32 v15, v16;
	v16 =	vmax.f32 v10, v12  }
0x33: {  	s13 =	sor.u32 s22, s1;
	v19 =	vld [tilespmem:s30+$0x0];
	v17 =	vmax.f32 v17, v18;
	v3 =	vsub.f32 v3, v15;
	v2 =	vsub.f32 v2, v15  }
0x34: {  	s16 =	sadd.s32 $0x280, s1;
	s0 =	sor.u32 s22, s26;
	v21 =	vld [tilespmem:s13+$0x0];
	v16 =	vmax.f32 v16, v14;
	v20 =	vsub.f32 v8, v15;
	v11 =	vsub.f32 v11, v15  }
0x35: {  	s29 =	sadd.s32 $0x200, s1;
	s17 =	sor.u32 s24, s16;
	v22 =	vld [tilespmem:s0+$0x0];
	v1 =	vsub.f32 v1, v15;
	v16 =	vmax.f32 v17, v16;
	v3 =	vmul.f32 $1.442695020e+00, v3  }
0x36: {  	s2 =	sadd.s32 $0x180, s1;
	s31 =	sor.u32 s24, s29;
	v23 =	vld [tilespmem:s17+$0x0];
	v2 =	vmul.f32 $1.442695020e+00, v2;
	v6 =	vsub.f32 v6, v16;
	v12 =	vsub.f32 v12, v16  }
0x37: {  	s25 =	sor.u32 s22, s2;
	v18 =	vld [tilespmem:s31+$0x0];
	v20 =	vmul.f32 $1.442695020e+00, v20;
	v4 =	vsub.f32 v4, v16;
	v11 =	vmul.f32 $1.442695020e+00, v11  }
0x38: {  	s9 =	sor.u32 s24, s1;
	s10 =	sadd.s32 $0x100, s1;
	v8 =	vld [tilespmem:s25+$0x0];
	v10 =	vsub.f32 v10, v16;
	(erf) = vpow2.f32 v3;
	v6 =	vmul.f32 $1.442695020e+00, v6  }
0x39: {  	s11 =	sor.u32 s24, s10;
	v17 =	vld [tilespmem:s9+$0x0];
	v3 =	vsub.f32 v13, v16;
	v12 =	vmul.f32 $1.442695020e+00, v12;
	v4 =	vmul.f32 $1.442695020e+00, v4  }
0x3a: {  	s18 =	sadd.s32 $0x300, s1;
	s30 =	sor.u32 s24, s2;
	v13 =	vld [tilespmem:s11+$0x0];
	(erf) = vpow2.f32 v2;
	v2 =	vsub.f32 v7, v16;
	v7 =	vmul.f32 $1.442695020e+00, v10  }
0x3b: {  	s26 =	sor.u32 s22, s29;
	s29 =	sor.u32 s24, s18;
	v10 =	vsub.f32 v14, v16;
	v14 =	vld [tilespmem:s30+$0x0];
	v3 =	vmul.f32 $1.442695020e+00, v3;
	(erf) = vpow2.f32 v12  }
0x3c: {  	s31 =	sor.u32 s22, s16;
	v5 =	vsub.f32 v5, v15;
	(erf) = vpow2.f32 v11;
	v11 =	vld [tilespmem:s29+$0x0];
	v2 =	vmul.f32 $1.442695020e+00, v2  }
0x3d: {  	v24 =	vmax.f32 v21, v22;
	v16 =	vld [tilespmem:s31+$0x0];
	v10 =	vmul.f32 $1.442695020e+00, v10;
	(erf) = vpow2.f32 v20  }
0x3e: {  	s2 =	sor.u32 s22, s10;
	v12 =	vld [tilespmem:s26+$0x0];
	v20 =	vmul.f32 $1.442695020e+00, v5;
	(erf) = vpow2.f32 v7;
	v7 =	vsub.f32 v9, v15  }
0x3f: {  	s0 =	sor.u32 s22, s18;
	v9 =	vmul.f32 $1.442695020e+00, v1;
	v15 =	vld [tilespmem:s2+$0x0];
	v1 =	vmax.f32 v17, v19;
	(erf) = vpow2.f32 v4  }
0x40: {  	v25 =	vld [tilespmem:s0+$0x0];
	v4 =	vmax.f32 v18, v23;
	v5 =	vmax.f32 v13, v14;
	(erf) = vpow2.f32 v3  }
0x41: {  	v1 =	vmax.f32 v1, v5;
	(erf) = vpow2.f32 v6;
	v6 =	vmax.f32 v4, v11  }
0x42: {  	v7 =	vmul.f32 $1.442695020e+00, v7;
	v3 =	vpop (erf);
	(erf) = vpow2.f32 v10;
	v26 =	vmax.f32 v1, v6  }
0x43: {  	s5 =	simm.s32 $0x0;
	v10 =	vmax.f32 v12, v16;
	v4 =	vpop (erf);
	(erf) = vpow2.f32 v2;
	v17 =	vsub.f32 v17, v26  }
0x44: {  	s0 =	smul.u32 $0xE00, s5;
	v6 =	vmax.f32 v15, v8;
	v28 =	vsub.f32 v13, v26;
	v14 =	vsub.f32 v14, v26  }
0x45: {  	v10 =	vmax.f32 v10, v25;
	v18 =	vsub.f32 v18, v26;
	v27 =	vsub.f32 v11, v26;
	v5 =	vpop (erf)  }
0x46: {  	s25 =	simm.s32 $0x40;
	s6 =	sshra.s32 s0, $0x2;
	v30 =	vsub.f32 v19, v26;
	v6 =	vmax.f32 v24, v6;
	(erf) = vpow2.f32 v7;
	v2 =	vpop (erf)  }
0x47: {  	s0 =	sand.u32 $0x60, s25;
	s10 =	sadd.s32 $0x200, s6;
	v24 =	vmul.f32 $1.442695020e+00, v17;
	v19 =	vmax.f32 v6, v10;
	v10 =	vmul.f32 $1.442695020e+00, v18;
	v1 =	vpop (erf)  }
0x48: {  	s17 =	sadd.s32 $0x100, s6;
	s13 =	sor.u32 s0, s10;
	v23 =	vsub.f32 v23, v26;
	v26 =	vmul.f32 $1.442695020e+00, v27;
	v14 =	vmul.f32 $1.442695020e+00, v14;
	v13 =	vpop (erf)  }
0x49: {  	s9 =	sadd.s32 $0x80, s6;
	s28 =	sor.u32 $0x10, s0;
	s18 =	sor.u32 s0, s17;
	v37 =	vld [tilespmem:s13+$0x0];
	(erf) = vpow2.f32 v9;
	v9 =	vsub.f32 v21, v19;
	v18 =	vsub.f32 v22, v19;
	v7 =	vpop (erf)  }
0x4a: {  	s1 =	sadd.s32 $0x300, s6;
	s5 =	sor.u32 s28, s9;
	s17 =	sor.u32 s28, s17;
	v40 =	vld [tilespmem:s18+$0x0];
	v15 =	vsub.f32 v15, v19;
	v22 =	vsub.f32 v16, v19;
	(erf) = vpow2.f32 v20;
	v6 =	vpop (erf)  }
0x4b: {  	s11 =	sor.u32 s0, s9;
	s9 =	sor.u32 s28, s10;
	s10 =	sor.u32 s0, s1;
	v36 =	vld [tilespmem:s17+$0x0];
	v35 =	vmul.f32 $1.442695020e+00, v30;
	(erf) = vpow2.f32 v24;
	v11 =	vpop (erf)  }
0x4c: {  	s30 =	sor.u32 s28, s6;
	v34 =	vld [tilespmem:s10+$0x0];
	v32 =	vmul.f32 $1.442695020e+00, v15;
	v15 =	vmul.f32 $1.442695020e+00, v22;
	v16 =	vpop (erf)  }
0x4d: {  	s26 =	sor.u32 s0, s6;
	v29 =	vld [tilespmem:s30+$0x0];
	v12 =	vsub.f32 v12, v19;
	v33 =	vmul.f32 $1.442695020e+00, v9;
	(erf) = vpow2.f32 v10;
	v9 =	vpop (erf)  }
0x4e: {  	v38 =	vld [tilespmem:s26+$0x0];
	v24 =	vadd.f32 v5, v13;
	(erf) = vpow2.f32 v15;
	v10 =	vadd.f32 v9, v11  }
0x4f: {  	s16 =	sadd.s32 $0x180, s6;
	v17 =	vld [tilespmem:s11+$0x0];
	v22 =	vsub.f32 v8, v19;
	v21 =	vadd.f32 v7, v6;
	(erf) = vpow2.f32 v14  }
0x50: {  	s31 =	sadd.s32 $0x280, s6;
	v27 =	vld [tilespmem:s5+$0x0];
	s11 =	sor.u32 s0, s16;
	v23 =	vmul.f32 $1.442695020e+00, v23;
	v12 =	vmul.f32 $1.442695020e+00, v12;
	v31 =	vadd.f32 v24, v16  }
0x51: {  	s2 =	sor.u32 s0, s31;
	v42 =	vld [tilespmem:s11+$0x0];
	v8 =	vpop (erf);
	v14 =	vmul.f32 $1.442695020e+00, v22;
	(erf) = vpow2.f32 v26;
	v21 =	vadd.f32 v21, v10  }
0x52: {  	s29 =	sor.u32 s28, s16;
	v19 =	vsub.f32 v25, v19;
	v24 =	vld [tilespmem:s2+$0x0];
	v22 =	vmul.f32 $1.442695020e+00, v18;
	v10 =	vpop (erf);
	(erf) = vpow2.f32 v12  }
0x53: {  	v20 =	vld [tilespmem:s29+$0x0];
	v39 =	vadd.f32 v8, v4;
	v18 =	vadd.f32 v31, v21;
	v15 =	vpop (erf);
	(erf) = vpow2.f32 v14  }
0x54: {  	s13 =	sor.u32 s28, s31;
	s16 =	simm.s32 $0x0;
	v26 =	vld [tilespmem:s9+$0x0];
	v21 =	vmul.f32 $1.442695020e+00, v19;
	v25 =	vadd.f32 v2, v15;
	(erf) = vpow2.f32 v32  }
0x55: {  	s1 =	sor.u32 s28, s1;
	s5 =	sand.u32 $0x3FFFFC00, s16;
	v31 =	vld [tilespmem:s13+$0x0];
	v32 =	vmul.f32 $1.442695020e+00, v28;
	v28 =	vadd.f32 v10, v3;
	v12 =	vpop (erf);
	(erf) = vrcp.f32 v18  }
0x56: {  	s23 =	simm.s32 $0x100;
	s18 =	sadd.s32 $0x7000, s5;
	v41 =	vmax.f32 v38, v17;
	v39 =	vadd.f32 v39, v1;
	v19 =	vld [tilespmem:s1+$0x0];
	v14 =	vpop (erf);
	(erf) = vpow2.f32 v33  }
0x57: {  	s5 =	sand.u32 $0x3FFFFC00, s23;
	s26 =	sor.u32 s21, s18;
	v30 =	vmax.f32 v37, v24;
	v25 =	vadd.f32 v25, v28;
	v18 =	vpop (erf);
	(erf) = vpow2.f32 v21  }
0x58: {  	s30 =	simm.s32 $0x200;
	s23 =	sor.u32 s20, s18;
	s29 =	sadd.s32 $0x7000, s5;
	[tilespmem:s26+$0x380] =	vst v0;
	v28 =	vmax.f32 v30, v34;
	v30 =	vmax.f32 v40, v42;
	v21 =	vpop (erf);
	(erf) = vpow2.f32 v22  }
0x59: {  	s5 =	sand.u32 $0x3FFFFC00, s30;
	[tilespmem:s23+$0x380] =	vst v0;
	s22 =	sor.u32 s22, s29;
	v30 =	vmax.f32 v41, v30;
	v44 =	vadd.f32 v39, v25;
	v25 =	vmax.f32 v36, v20  }
0x5a: {  	s20 =	sor.u32 s24, s29;
	s31 =	sadd.s32 $0x7000, s5;
	[tilespmem:s22+$0x380] =	vst v0;
	v63 =	vmax.f32 v26, v31;
	v22 =	vpop (erf);
	v33 =	vmax.f32 v30, v28  }
0x5b: {  	v43 =	vmax.f32 v29, v27;
	[tilespmem:s20+$0x380] =	vst v0;
	s21 =	sor.u32 s0, s31;
	v39 =	vsub.f32 v38, v33;
	v38 =	vmax.f32 v63, v19;
	v28 =	vpop (erf)  }
0x5c: {  	s24 =	sor.u32 s28, s31;
	[tilespmem:s21+$0x380] =	vst v0;
	v30 =	vsub.f32 v40, v33;
	v41 =	vmax.f32 v43, v25;
	v25 =	vpop (erf);
	(erf) = vrcp.f32 v44  }
0x5d: {  	s28 =	simm.s32 $0x4;
	[tilespmem:s24+$0x380] =	vst v0;
	v40 =	vsub.f32 v42, v33;
	v37 =	vsub.f32 v37, v33;
	(erf) = vpow2.f32 v23;
	v23 =	vpop (erf)  }
.LBB2_3:
0x5e: {  	s28 =	sadd.s32 $0x2, s28;
	v39 =	vmul.f32 $1.442695020e+00, v39;
	v34 =	vsub.f32 v34, v33;
	(erf) = vpow2.f32 v35;
	v35 =	vpop (erf)  }
0x5f: {  	v42 =	vsub.f32 v17, v33;
	v41 =	vmax.f32 v41, v38;
	s0 =	sshrl.u32 s28, $0x3;
	s1 =	sshll.u32 s28, $0x7;
	p1 =	slt.u32 s28, $0x7E;
	v43 =	vmul.f32 $1.442695020e+00, v37;
	v44 =	vpop (erf)  }
0x60: {  	v33 =	vsub.f32 v24, v33;
	s25 =	sadd.s32 $0x20, s25;
	v17 =	vsub.f32 v29, v41;
	s0 =	smul.u32 $0xE00, s0;
	s30 =	sand.u32 $0x3FFFFC00, s1;
	(erf) = vpow2.f32 v32;
	v24 =	vpop (erf)  }
0x61: {  	s29 =	sand.u32 $0x60, s25;
	v27 =	vsub.f32 v27, v41;
	v29 =	vadd.f32 v25, v23;
	(erf) = vpow2.f32 v39;
	v45 =	vpop (erf)  }
0x62: {  	v46 =	vmovc v2;
	v2 =	vmovc v21;
	s31 =	sor.u32 $0x10, s29;
	v38 =	vmul.f32 $1.442695020e+00, v17;
	v17 =	vsub.f32 v36, v41;
	v36 =	vmul.f32 $3.906250000e-03, v35;
	s5 =	sshra.s32 s0, $0x2  }
0x63: {  	v20 =	vsub.f32 v20, v41;
	v21 =	vmul.f32 $1.442695020e+00, v34;
	v32 =	vadd.f32 v18, v28;
	v39 =	vmovc v1;
	v1 =	vmovc v22;
	s0 =	sadd.s32 $0x80, s5;
	s8 =	sadd.s32 $0x200, s5;
	s17 =	sadd.s32 $0x300, s5  }
0x64: {  	v31 =	vsub.f32 v31, v41;
	s6 =	sadd.s32 $0x100, s5;
	s18 =	sadd.s32 $0x180, s5;
	v22 =	vmul.f32 $1.442695020e+00, v17;
	v34 =	vmul.f32 v36, v16;
	v16 =	vmovc v24;
	s1 =	sor.u32 s29, s0  }
0x65: {  	s11 =	sadd.s32 $0x280, s5;
	v24 =	vmul.f32 $1.442695020e+00, v40;
	v40 =	vmul.f32 $1.442695020e+00, v20;
	v20 =	vsub.f32 v26, v41;
	s13 =	sor.u32 s31, s0;
	v17 =	vld [tilespmem:s1+$0x0];
	s1 =	sor.u32 s29, s8;
	v26 =	vpop (erf)  }
0x66: {  	v51 =	vmul.f32 $1.442695020e+00, v31;
	v35 =	vadd.f32 v45, v44;
	s16 =	sor.u32 s29, s5;
	s0 =	sor.u32 s31, s6;
	s9 =	sor.u32 s31, s18;
	v37 =	vld [tilespmem:s1+$0x0];
	(erf) = vpow2.f32 v43;
	v43 =	vpop (erf);
	[tilespmem:s26+$0x300] =	vst v34  }
0x67: {  	v32 =	vadd.f32 v32, v16;
	v48 =	vmul.f32 $1.442695020e+00, v20;
	s1 =	sor.u32 s29, s18;
	s18 =	sor.u32 s29, s17;
	v34 =	vmul.f32 v36, v13;
	v47 =	vld [tilespmem:s16+$0x0];
	s16 =	sor.u32 s29, s6;
	v49 =	vpop (erf)  }
0x68: {  	v50 =	vmul.f32 $1.442695020e+00, v27;
	s5 =	sor.u32 s31, s5;
	s10 =	sor.u32 s29, s11;
	v27 =	vadd.f32 v29, v35;
	v29 =	vmul.f32 v36, v11;
	v11 =	vmovc v44;
	v13 =	vmovc v28;
	s6 =	sor.u32 s31, s11;
	v20 =	vld [tilespmem:s9+$0x0]  }
0x69: {  	v35 =	vmul.f32 v36, v7;
	s8 =	sor.u32 s31, s8;
	v28 =	vsub.f32 v19, v41;
	s9 =	sor.u32 s31, s17;
	v44 =	vld [tilespmem:s16+$0x0];
	(erf) = vpow2.f32 v51;
	v31 =	vpop (erf);
	[tilespmem:s26+$0x200] =	vst v34  }
0x6a: {  	v51 =	vadd.f32 v32, v27;
	v34 =	vmul.f32 v36, v5;
	v19 =	vld [tilespmem:s9+$0x0];
	v41 =	vpop (erf);
	(erf) = vpow2.f32 v24;
	[tilespmem:s26+$0x0] =	vst v29  }
0x6b: {  	v7 =	vmovc v25;
	v53 =	vmul.f32 $3.906250000e-03, v26;
	v28 =	vmul.f32 $1.442695020e+00, v28;
	v5 =	vmovc v18;
	v52 =	vadd.f32 v2, v31;
	v29 =	vld [tilespmem:s5+$0x0]  }
0x6c: {  	v25 =	vadd.f32 v43, v14;
	v18 =	vmul.f32 v36, v6;
	v6 =	vmovc v23;
	v27 =	vld [tilespmem:s13+$0x0];
	(erf) = vpow2.f32 v21;
	[tilespmem:s26+$0x180] =	vst v35  }
0x6d: {  	v32 =	vmul.f32 $1.442695020e+00, v30;
	v23 =	vmax.f32 v47, v17;
	v35 =	vmul.f32 $1.442695020e+00, v42;
	v24 =	vld [tilespmem:s10+$0x0];
	[tilespmem:s26+$0x280] =	vst v34  }
0x6e: {  	v30 =	vadd.f32 v49, v12;
	v36 =	vmul.f32 v36, v9;
	v21 =	vmul.f32 v53, v3;
	v26 =	vld [tilespmem:s8+$0x0];
	[tilespmem:s26+$0x100] =	vst v18  }
0x6f: {  	v9 =	vmov v45;
	v34 =	vld [tilespmem:s18+$0x0];
	v42 =	vpop (erf);
	(erf) = vpow2.f32 v48;
	v48 =	vmul.f32 v53, v10  }
0x70: {  	v3 =	vmovc v12;
	v10 =	vmovc v49;
	v45 =	vld [tilespmem:s1+$0x0];
	(erf) = vpow2.f32 v40;
	v40 =	vmul.f32 v53, v15;
	[tilespmem:s26+$0x80] =	vst v36;
	v15 =	vmov v31;
	s26 =	smov.u32 s22;
	s22 =	smov.u32 s24  }
0x71: {  	v12 =	vmovc v41;
	v31 =	vld [tilespmem:s6+$0x0];
	v49 =	vmax.f32 v29, v27;
	(erf) = vpow2.f32 v22;
	[tilespmem:s23+$0x0] =	vst v21;
	v22 =	vmul.f32 v53, v46  }
0x72: {  	v4 =	vmul.f32 v53, v4;
	v41 =	vmax.f32 v37, v24;
	v36 =	vld [tilespmem:s0+$0x0];
	v18 =	vpop (erf);
	(erf) = vrcp.f32 v51;
	[tilespmem:s23+$0x100] =	vst v40  }
0x73: {  	v30 =	vadd.f32 v52, v30;
	v21 =	vpop (erf);
	(erf) = vpow2.f32 v38;
	[tilespmem:s23+$0x180] =	vst v22;
	v38 =	vmul.f32 v53, v8  }
0x74: {  	v39 =	vmul.f32 v53, v39;
	v8 =	vmovc v43;
	v40 =	vmax.f32 v41, v34;
	(erf) = vpow2.f32 v28;
	[tilespmem:s23+$0x200] =	vst v4  }
0x75: {  	v25 =	vadd.f32 v25, v1;
	v28 =	vmax.f32 v44, v45;
	v22 =	vpop (erf);
	(erf) = vpow2.f32 v50;
	[tilespmem:s23+$0x280] =	vst v38  }
.Ltmp2:
0x76: {  	s0 =	sadd.s32 $0x7000, s30;
	v43 =	vmul.f32 $1.442695020e+00, v33;
	v4 =	vmovc v14;
	v23 =	vmax.f32 v23, v28;
	v41 =	vmax.f32 v26, v31;
	[tilespmem:s23+$0x300] =	vst v39;
	(pc) =	sbr.rel @p1 .LBB2_3-.Ltmp2, $4  }
0x77: {  	s24 =	sor.u32 s31, s0;
	v33 =	vmax.f32 v23, v40;
	v23 =	vmax.f32 v36, v20;
	v40 =	vadd.f32 v25, v30;
	[tilespmem:s23+$0x80] =	vst v48;
	s23 =	smov.u32 s20;
	s20 =	smov.u32 s21  }
0x78: {  	v14 =	vmov v42;
	s21 =	sor.u32 s29, s0;
	v38 =	vmax.f32 v41, v19;
	v39 =	vsub.f32 v47, v33;
	[tilespmem:s24+$0x380] =	vst v0;
	v28 =	vpop (erf)  }
0x79: {  	v30 =	vsub.f32 v44, v33;
	v41 =	vmax.f32 v49, v23;
	[tilespmem:s21+$0x380] =	vst v0;
	v25 =	vpop (erf);
	(erf) = vrcp.f32 v40  }
0x7a: {  	v37 =	vsub.f32 v37, v33;
	v40 =	vsub.f32 v45, v33;
	(erf) = vpow2.f32 v43;
	v23 =	vpop (erf)  }
0x7b: {  	v39 =	vmul.f32 $1.442695020e+00, v39  }
0x7c: {  	(erf) = vpow2.f32 v35  }
0x7d: {  	v48 =	vmax.f32 v41, v38;
	v34 =	vsub.f32 v34, v33;
	v50 =	vadd.f32 v25, v23  }
0x7e: {  	v51 =	vpop (erf);
	v42 =	vadd.f32 v18, v28;
	v29 =	vsub.f32 v29, v48;
	(erf) = vpow2.f32 v32  }
0x7f: {  	v49 =	vmul.f32 $1.442695020e+00, v37;
	v31 =	vsub.f32 v31, v48;
	(erf) = vpow2.f32 v39;
	v39 =	vpop (erf)  }
0x80: {  	v36 =	vsub.f32 v36, v48;
	v38 =	vmul.f32 $3.906250000e-03, v51;
	v40 =	vmul.f32 $1.442695020e+00, v40;
	v52 =	vpop (erf)  }
0x81: {  	v26 =	vsub.f32 v26, v48;
	v34 =	vmul.f32 $1.442695020e+00, v34;
	v31 =	vmul.f32 $1.442695020e+00, v31;
	v43 =	vpop (erf)  }
0x82: {  	v29 =	vmul.f32 $1.442695020e+00, v29;
	(erf) = vpow2.f32 v49;
	v53 =	vadd.f32 v43, v39  }
0x83: {  	v20 =	vsub.f32 v20, v48;
	v26 =	vmul.f32 $1.442695020e+00, v26;
	(erf) = vpow2.f32 v31  }
0x84: {  	(erf) = vpow2.f32 v40;
	v42 =	vadd.f32 v42, v52;
	v54 =	vpop (erf);
	v32 =	vadd.f32 v50, v53  }
0x85: {  	v19 =	vsub.f32 v19, v48;
	v20 =	vmul.f32 $1.442695020e+00, v20;
	(erf) = vpow2.f32 v34;
	v40 =	vpop (erf)  }
0x86: {  	v36 =	vmul.f32 $1.442695020e+00, v36;
	(erf) = vpow2.f32 v26;
	v34 =	vpop (erf);
	v32 =	vadd.f32 v42, v32  }
0x87: {  	v27 =	vsub.f32 v27, v48;
	v19 =	vmul.f32 $1.442695020e+00, v19;
	(erf) = vpow2.f32 v20;
	v26 =	vpop (erf)  }
0x88: {  	(erf) = vpow2.f32 v36;
	v57 =	vadd.f32 v34, v12;
	v55 =	vadd.f32 v21, v26  }
0x89: {  	v17 =	vsub.f32 v17, v33;
	v27 =	vmul.f32 $1.442695020e+00, v27;
	(erf) = vrcp.f32 v32  }
0x8a: {  	v56 =	vadd.f32 v40, v14;
	v20 =	vadd.f32 v55, v57;
	v32 =	vpop (erf);
	(erf) = vpow2.f32 v29  }
0x8b: {  	v24 =	vsub.f32 v24, v33;
	v62 =	vmul.f32 $1.442695020e+00, v30;
	v29 =	vpop (erf);
	(erf) = vpow2.f32 v19  }
0x8c: {  	v16 =	vmul.f32 v38, v16;
	v58 =	vadd.f32 v56, v22;
	v33 =	vpop (erf);
	(erf) = vpow2.f32 v27  }
0x8d: {  	v24 =	vmul.f32 $1.442695020e+00, v24;
	v13 =	vmul.f32 v38, v13;
	v27 =	vpop (erf)  }
0x8e: {  	v60 =	vmul.f32 $1.442695020e+00, v17;
	v11 =	vmul.f32 v38, v11;
	[tilespmem:s26+$0x300] =	vst v16;
	v19 =	vadd.f32 v58, v20;
	v20 =	vpop (erf)  }
0x8f: {  	v7 =	vmul.f32 v38, v7;
	v5 =	vmul.f32 v38, v5;
	[tilespmem:s26+$0x200] =	vst v13;
	v61 =	vpop (erf)  }
0x90: {  	v6 =	vmul.f32 v38, v6;
	[tilespmem:s26+$0x0] =	vst v11;
	(erf) = vrcp.f32 v19;
	v63 =	vpop (erf)  }
0x91: {  	[tilespmem:s26+$0x180] =	vst v7;
	v59 =	vmul.f32 $3.906250000e-03, v54;
	(erf) = vpow2.f32 v24;
	v30 =	vpop (erf)  }
0x92: {  	[tilespmem:s26+$0x280] =	vst v5;
	v31 =	vmul.f32 v38, v9;
	(erf) = vpow2.f32 v60;
	v35 =	vpop (erf)  }
0x93: {  	[tilespmem:s26+$0x100] =	vst v6;
	v3 =	vmul.f32 v59, v3;
	(erf) = vpow2.f32 v62;
	v36 =	vpop (erf)  }
0x94: {  	[tilespmem:s26+$0x80] =	vst v31;
	v2 =	vmul.f32 v59, v2;
	v38 =	vpop (erf)  }
0x95: {  	v37 =	vmul.f32 v59, v15;
	v4 =	vmul.f32 v59, v4;
	[tilespmem:s23+$0x0] =	vst v3;
	v44 =	vadd.f32 v33, v61;
	v42 =	vpop (erf)  }
0x96: {  	[tilespmem:s23+$0x180] =	vst v2;
	v2 =	vmul.f32 v59, v8;
	v3 =	vadd.f32 v63, v30;
	v45 =	vadd.f32 v42, v36  }
0x97: {  	v1 =	vmul.f32 v59, v1;
	[tilespmem:s23+$0x100] =	vst v37  }
0x98: {  	[tilespmem:s23+$0x200] =	vst v4;
	v46 =	vmul.f32 $3.906250000e-03, v35;
	v48 =	vadd.f32 v44, v38;
	v3 =	vadd.f32 v3, v45  }
0x99: {  	v10 =	vmul.f32 v59, v10;
	[tilespmem:s23+$0x300] =	vst v1;
	v47 =	vpop (erf)  }
0x9a: {  	[tilespmem:s23+$0x280] =	vst v2;
	v1 =	vmul.f32 v46, v52;
	v2 =	vpop (erf);
	v3 =	vadd.f32 v48, v3  }
0x9b: {  	[tilespmem:s23+$0x80] =	vst v10;
	v50 =	vmul.f32 v46, v28;
	v49 =	vpop (erf)  }
0x9c: {  	[tilespmem:s22+$0x300] =	vst v1;
	v1 =	vmul.f32 v46, v39;
	v53 =	vadd.f32 v2, v29;
	v51 =	vpop (erf);
	(erf) = vrcp.f32 v3  }
0x9d: {  	[tilespmem:s22+$0x200] =	vst v50;
	v54 =	vadd.f32 v49, v32;
	v52 =	vadd.f32 v27, v51;
	v3 =	vmul.f32 v46, v25  }
0x9e: {  	v55 =	vmul.f32 v46, v23;
	v8 =	vmul.f32 $3.906250000e-03, v47;
	[tilespmem:s22+$0x0] =	vst v1  }
0x9f: {  	v1 =	vmul.f32 v46, v18;
	v9 =	vadd.f32 v53, v20;
	[tilespmem:s22+$0x180] =	vst v3;
	v3 =	vadd.f32 v52, v54  }
0xa0: {  	[tilespmem:s22+$0x100] =	vst v55;
	v56 =	vmul.f32 v8, v12  }
0xa1: {  	[tilespmem:s22+$0x280] =	vst v1;
	v1 =	vmul.f32 v46, v43;
	v3 =	vadd.f32 v9, v3  }
0xa2: {  	v57 =	vmul.f32 v8, v26;
	[tilespmem:s20+$0x0] =	vst v56  }
0xa3: {  	[tilespmem:s22+$0x80] =	vst v1;
	v1 =	vmul.f32 v8, v21;
	(erf) = vrcp.f32 v3  }
0xa4: {  	[tilespmem:s20+$0x100] =	vst v57;
	v3 =	vmul.f32 v8, v14  }
0xa5: {  	[tilespmem:s20+$0x180] =	vst v1;
	v1 =	vmul.f32 v8, v40;
	v58 =	vpop (erf)  }
0xa6: {  	[tilespmem:s20+$0x200] =	vst v3;
	v3 =	vmul.f32 v8, v22;
	v4 =	vmul.f32 $3.906250000e-03, v58  }
0xa7: {  	[tilespmem:s20+$0x280] =	vst v1;
	v8 =	vmul.f32 v8, v34  }
0xa8: {  	[tilespmem:s20+$0x300] =	vst v3;
	v1 =	vmul.f32 v4, v38;
	v3 =	vmul.f32 v4, v61  }
0xa9: {  	[tilespmem:s20+$0x80] =	vst v8  }
0xaa: {  	[tilespmem:s24+$0x300] =	vst v1;
	v1 =	vmul.f32 v4, v36  }
0xab: {  	v59 =	vmul.f32 v4, v63;
	[tilespmem:s24+$0x200] =	vst v3  }
0xac: {  	v3 =	vpop (erf);
	[tilespmem:s24+$0x0] =	vst v1;
	v1 =	vmul.f32 v4, v33  }
0xad: {  	v60 =	vmul.f32 v4, v30;
	[tilespmem:s24+$0x180] =	vst v59;
	v3 =	vmul.f32 $3.906250000e-03, v3  }
0xae: {  	[tilespmem:s24+$0x280] =	vst v1;
	v1 =	vmul.f32 v4, v42  }
0xaf: {  	[tilespmem:s24+$0x100] =	vst v60;
	v61 =	vmul.f32 v3, v32  }
0xb0: {  	v62 =	vmul.f32 v3, v51;
	[tilespmem:s24+$0x80] =	vst v1  }
0xb1: {  	v1 =	vmul.f32 v3, v27;
	[tilespmem:s21+$0x0] =	vst v61  }
0xb2: {  	v63 =	vmul.f32 v3, v29;
	[tilespmem:s21+$0x100] =	vst v62  }
0xb3: {  	p1 =	sne.s32 s19, $0x3;
	[tilespmem:s21+$0x180] =	vst v1;
	v1 =	vmul.f32 v3, v2  }
.Ltmp3:
0xb4: {  	[tilespmem:s21+$0x200] =	vst v63;
	v2 =	vmul.f32 v3, v20;
	(pc) =	sbr.rel @p1 .LBB2_6-.Ltmp3, $4  }
0xb5: {  	s0 =	sshll.u32 s19, $0xC;
	v3 =	vmul.f32 v3, v49;
	[tilespmem:s21+$0x280] =	vst v1  }
0xb6: {  	s31 =	rddreg [dreg:$0x1];
	s20 =	sor.u32 s4, s0;
	[tilespmem:s21+$0x300] =	vst v2  }
0xb7: {  	s1 =	simm.s32 $0x7000;
	s0 =	sadd.s32 s31, s20;
	[tilespmem:s21+$0x80] =	vst v3  }
0xb8: {  	[hbm4b:s0+s3] =	stream.linear.scatter [tilespmem:s1], [sflag:$0x3], $0x4000, $0x38;
	[tilespmem:$0xF000] =	vst v63  }
.Ltmp4:
0xb9: {  	(pc) =	sbr.rel .LBB2_7-.Ltmp4, $4  }
0xba: {  	_ = 	snop  }
0xbb: {  	_ =	swait.ge [sflag:s14], $0x3800  }
0xbc: {  	[sflag:s14] =	ssyncset.done $0x0  }
0xbd: {  	[sflag:s14] =	ssyncadd.s32 $0xFFFFC800  }
.LBB2_6:
0xbe: {  	s0 =	sadd.s32 s20, s7  }
.Ltmp5:
0xbf: {  	s1 =	simm.s32 $0x380;
	s2 =	simm.s32 $0x400;
	(pc) =	sbr.rel @p0 .LBB2_8-.Ltmp5, $4  }
0xc0: {  	[tilespmem:s3], [sflag:$0x1] =	stream.strided.gather [hbm4b:s0+s1], $0x3800, s2, s1, $0x38;
	[tilespmem:$0xF000] =	vst v63  }
0xc1: {  	_ =	swait.ge [sflag:s14], $0x3800  }
0xc2: {  	[sflag:s14] =	ssyncset.done $0x0  }
0xc3: {  	[sflag:s14] =	ssyncadd.s32 $0xFFFFC800  }
.LBB2_7:
0xc4: {  	_ =	swait.ge [sflag:s15], $0x4000  }
0xc5: {  	[sflag:s15] =	ssyncset.done $0x0  }
0xc6: {  	[sflag:s15] =	ssyncadd.s32 $0xFFFFC000  }
.LBB2_8:
0xc7: {  	s0 =	simm.s32 $0x0  }
0xc8: {  	s0 =	smul.u32 $0xE00, s0  }
0xc9: {  	s1 =	simm.s32 $0x0  }
0xca: {  	s21 =	sand.u32 $0x60, s1;
	s0 =	sshra.s32 s0, $0x2  }
0xcb: {  	s22 =	sor.u32 $0x10, s21;
	s25 =	sadd.s32 $0x3980, s0  }
0xcc: {  	s5 =	sadd.s32 $0x3A00, s0;
	s6 =	sor.u32 s22, s25  }
0xcd: {  	s8 =	sadd.s32 $0x3880, s0;
	s9 =	sor.u32 s22, s5;
	v1 =	vld [tilespmem:s6+$0x0]  }
0xce: {  	s26 =	sor.u32 s21, s8;
	v2 =	vld [tilespmem:s9+$0x0]  }
0xcf: {  	s5 =	sor.u32 s21, s5;
	v3 =	vld [tilespmem:s26+$0x0]  }
0xd0: {  	s30 =	sadd.s32 $0x3A80, s0;
	s1 =	sor.u32 s21, s25;
	v4 =	vld [tilespmem:s5+$0x0]  }
0xd1: {  	s2 =	sadd.s32 $0x3900, s0;
	s31 =	sor.u32 s21, s30;
	v5 =	vld [tilespmem:s1+$0x0]  }
0xd2: {  	s11 =	sadd.s32 $0x3800, s0;
	s10 =	sor.u32 s21, s2;
	v6 =	vld [tilespmem:s31+$0x0]  }
0xd3: {  	s0 =	sadd.s32 $0x3B00, s0;
	s13 =	sor.u32 s21, s11;
	v7 =	vld [tilespmem:s10+$0x0]  }
0xd4: {  	s16 =	sor.u32 s21, s0;
	v8 =	vld [tilespmem:s13+$0x0]  }
0xd5: {  	s17 =	sor.u32 s22, s8;
	v9 =	vld [tilespmem:s16+$0x0]  }
0xd6: {  	s23 =	sor.u32 s22, s2;
	v11 =	vld [tilespmem:s17+$0x0]  }
0xd7: {  	s18 =	sor.u32 s22, s30;
	v17 =	vld [tilespmem:s23+$0x0]  }
0xd8: {  	s1 =	sor.u32 s22, s11;
	v12 =	vld [tilespmem:s18+$0x0]  }
0xd9: {  	s24 =	simm.s32 $0x0;
	v10 =	vld [tilespmem:s1+$0x0];
	v14 =	vmax.f32 v4, v6;
	v15 =	vmax.f32 v7, v5;
	v16 =	vmax.f32 v8, v3  }
0xda: {  	s25 =	smul.u32 $0xE00, s24;
	v15 =	vmax.f32 v16, v15;
	v14 =	vmax.f32 v14, v9  }
0xdb: {  	s0 =	sor.u32 s22, s0;
	v14 =	vmax.f32 v15, v14  }
0xdc: {  	v13 =	vld [tilespmem:s0+$0x0];
	s26 =	simm.s32 $0x20;
	s30 =	sshra.s32 s25, $0x2;
	v18 =	vmax.f32 v17, v1;
	v7 =	vsub.f32 v7, v14  }
0xdd: {  	s28 =	sand.u32 $0x60, s26;
	s31 =	sadd.s32 $0x3A00, s30;
	v16 =	vmax.f32 v2, v12;
	v5 =	vsub.f32 v5, v14;
	v3 =	vsub.f32 v3, v14  }
0xde: {  	s0 =	sadd.s32 $0x3A80, s30;
	s1 =	sor.u32 s28, s31;
	v15 =	vmax.f32 v10, v11;
	v8 =	vsub.f32 v8, v14;
	v7 =	vmul.f32 $1.442695020e+00, v7  }
0xdf: {  	s5 =	sadd.s32 $0x3B00, s30;
	s17 =	sor.u32 s28, s0;
	v19 =	vld [tilespmem:s1+$0x0];
	v6 =	vsub.f32 v6, v14;
	v5 =	vmul.f32 $1.442695020e+00, v5;
	v3 =	vmul.f32 $1.442695020e+00, v3  }
0xe0: {  	s2 =	sadd.s32 $0x3980, s30;
	s26 =	sor.u32 s28, s5;
	v20 =	vld [tilespmem:s17+$0x0];
	v4 =	vsub.f32 v4, v14;
	v8 =	vmul.f32 $1.442695020e+00, v8;
	(erf) = vpow2.f32 v7  }
0xe1: {  	s18 =	sadd.s32 $0x3900, s30;
	s16 =	sor.u32 s28, s2;
	v22 =	vld [tilespmem:s26+$0x0];
	v16 =	vmax.f32 v16, v13;
	v6 =	vmul.f32 $1.442695020e+00, v6;
	(erf) = vpow2.f32 v5  }
0xe2: {  	s24 =	sadd.s32 $0x3880, s30;
	s23 =	sor.u32 s28, s18;
	v7 =	vld [tilespmem:s16+$0x0];
	v5 =	vmax.f32 v15, v18;
	(erf) = vpow2.f32 v3;
	v3 =	vmul.f32 $1.442695020e+00, v4  }
0xe3: {  	s25 =	sadd.s32 $0x3800, s30;
	s11 =	sor.u32 s28, s24;
	v4 =	vld [tilespmem:s23+$0x0];
	v5 =	vmax.f32 v5, v16;
	(erf) = vpow2.f32 v8;
	v8 =	vsub.f32 v9, v14  }
0xe4: {  	s13 =	sor.u32 s28, s25;
	v9 =	vld [tilespmem:s11+$0x0];
	v11 =	vsub.f32 v11, v5;
	v2 =	vsub.f32 v2, v5;
	(erf) = vpow2.f32 v3  }
0xe5: {  	v14 =	vld [tilespmem:s13+$0x0];
	(erf) = vpow2.f32 v6;
	v6 =	vsub.f32 v10, v5;
	v10 =	vsub.f32 v12, v5  }
0xe6: {  	v16 =	vsub.f32 v1, v5;
	v3 =	vsub.f32 v17, v5;
	v8 =	vmul.f32 $1.442695020e+00, v8  }
0xe7: {  	s23 =	sor.u32 $0x10, s28;
	v12 =	vmax.f32 v19, v20;
	v1 =	vmul.f32 $1.442695020e+00, v11;
	v10 =	vmul.f32 $1.442695020e+00, v10  }
0xe8: {  	s6 =	sor.u32 s23, s31;
	v5 =	vsub.f32 v13, v5;
	v2 =	vmul.f32 $1.442695020e+00, v2;
	(erf) = vpow2.f32 v8  }
0xe9: {  	s5 =	sor.u32 s23, s5;
	v30 =	vld [tilespmem:s6+$0x0];
	v11 =	vmax.f32 v12, v22;
	v15 =	vmax.f32 v4, v7;
	(erf) = vpow2.f32 v10  }
0xea: {  	s30 =	sor.u32 s23, s25;
	v26 =	vld [tilespmem:s5+$0x0];
	v8 =	vmax.f32 v14, v9;
	v10 =	vmul.f32 $1.442695020e+00, v6;
	(erf) = vpow2.f32 v1  }
0xeb: {  	s0 =	sor.u32 s23, s0;
	v24 =	vld [tilespmem:s30+$0x0];
	v5 =	vmul.f32 $1.442695020e+00, v5;
	v6 =	vpop (erf);
	v8 =	vmax.f32 v8, v15;
	(erf) = vpow2.f32 v2  }
0xec: {  	s31 =	sor.u32 s23, s24;
	v37 =	vld [tilespmem:s0+$0x0];
	v12 =	vmul.f32 $1.442695020e+00, v3;
	v1 =	vpop (erf);
	v23 =	vmax.f32 v8, v11;
	(erf) = vpow2.f32 v10  }
0xed: {  	s8 =	sor.u32 s23, s2;
	s2 =	simm.s32 $0x0;
	v32 =	vld [tilespmem:s31+$0x0];
	v2 =	vpop (erf);
	v8 =	vsub.f32 v4, v23;
	v10 =	vmul.f32 $1.442695020e+00, v16;
	(erf) = vpow2.f32 v5  }
0xee: {  	v31 =	vld [tilespmem:s8+$0x0];
	s8 =	smul.u32 $0xE00, s2;
	v3 =	vpop (erf);
	(erf) = vpow2.f32 v12  }
0xef: {  	s26 =	simm.s32 $0x40;
	s1 =	sor.u32 s23, s18;
	v5 =	vpop (erf);
	(erf) = vpow2.f32 v10  }
0xf0: {  	v33 =	vld [tilespmem:s1+$0x0];
	s0 =	sand.u32 $0x60, s26;
	s1 =	sshra.s32 s8, $0x2;
	v4 =	vpop (erf);
	v12 =	vsub.f32 v9, v23  }
0xf1: {  	s29 =	sor.u32 $0x10, s0;
	s9 =	sadd.s32 $0x3A00, s1;
	v18 =	vmax.f32 v30, v37;
	v7 =	vsub.f32 v7, v23;
	v10 =	vmul.f32 $1.442695020e+00, v8;
	v8 =	vpop (erf)  }
0xf2: {  	s13 =	sadd.s32 $0x3880, s1;
	s16 =	sor.u32 s29, s9;
	v17 =	vmax.f32 v24, v32;
	v21 =	vmax.f32 v18, v26;
	v12 =	vmul.f32 $1.442695020e+00, v12;
	v9 =	vpop (erf)  }
0xf3: {  	s17 =	sor.u32 s0, s13;
	v15 =	vld [tilespmem:s16+$0x0];
	v14 =	vsub.f32 v14, v23;
	v16 =	vadd.f32 v1, v6;
	v7 =	vmul.f32 $1.442695020e+00, v7;
	v11 =	vpop (erf)  }
0xf4: {  	s5 =	sadd.s32 $0x3980, s1;
	s6 =	sor.u32 s0, s9;
	v27 =	vld [tilespmem:s17+$0x0];
	v19 =	vsub.f32 v19, v23;
	v35 =	vsub.f32 v20, v23;
	(erf) = vpow2.f32 v10;
	v13 =	vpop (erf)  }
0xf5: {  	s18 =	sadd.s32 $0x3800, s1;
	s11 =	sor.u32 s29, s5;
	s5 =	sor.u32 s0, s5;
	v25 =	vld [tilespmem:s6+$0x0];
	v34 =	vadd.f32 v4, v5;
	(erf) = vpow2.f32 v7;
	v7 =	vadd.f32 v2, v3;
	v18 =	vpop (erf)  }
0xf6: {  	s31 =	sadd.s32 $0x3900, s1;
	s25 =	sor.u32 s29, s18;
	v28 =	vld [tilespmem:s5+$0x0];
	v41 =	vsub.f32 v22, v23;
	v14 =	vmul.f32 $1.442695020e+00, v14;
	(erf) = vpow2.f32 v12;
	v12 =	vpop (erf)  }
0xf7: {  	v29 =	vmax.f32 v33, v31;
	s16 =	sor.u32 s29, s31;
	v20 =	vld [tilespmem:s25+$0x0];
	v34 =	vadd.f32 v34, v8;
	v7 =	vadd.f32 v16, v7;
	v16 =	vpop (erf)  }
0xf8: {  	v22 =	vld [tilespmem:s16+$0x0];
	(erf) = vpow2.f32 v14;
	v14 =	vmax.f32 v17, v29;
	v36 =	vadd.f32 v9, v13;
	v17 =	vpop (erf)  }
0xf9: {  	s2 =	sor.u32 s0, s31;
	v19 =	vmul.f32 $1.442695020e+00, v19;
	v10 =	vld [tilespmem:s11+$0x0];
	v38 =	vadd.f32 v11, v18;
	v39 =	vadd.f32 v17, v16  }
0xfa: {  	s24 =	sadd.s32 $0x3A80, s1;
	s8 =	sor.u32 s0, s18;
	v35 =	vmul.f32 $1.442695020e+00, v35;
	v45 =	vmax.f32 v14, v21;
	v14 =	vadd.f32 v34, v7;
	v34 =	vld [tilespmem:s2+$0x0]  }
0xfb: {  	s6 =	sor.u32 s29, s24;
	(erf) = vpow2.f32 v19;
	v19 =	vadd.f32 v36, v12;
	v36 =	vld [tilespmem:s8+$0x0];
	v39 =	vadd.f32 v39, v38  }
0xfc: {  	s9 =	sor.u32 s29, s13;
	(erf) = vpow2.f32 v35;
	v35 =	vld [tilespmem:s6+$0x0]  }
0xfd: {  	s1 =	sadd.s32 $0x3B00, s1;
	s30 =	sor.u32 s0, s24;
	v41 =	vmul.f32 $1.442695020e+00, v41;
	v21 =	vld [tilespmem:s9+$0x0];
	s9 =	simm.s32 $0x0;
	(erf) = vrcp.f32 v14;
	v14 =	vadd.f32 v19, v39  }
0xfe: {  	s11 =	sor.u32 s29, s1;
	v29 =	vld [tilespmem:s30+$0x0];
	v63 =	vmax.f32 v22, v10;
	s13 =	sand.u32 $0x3FFFFC00, s9;
	v43 =	vsub.f32 v24, v45;
	v44 =	vsub.f32 v37, v45;
	v7 =	vpop (erf)  }
0xff: {  	s17 =	simm.s32 $0x100;
	v47 =	vsub.f32 v31, v45;
	v32 =	vsub.f32 v32, v45;
	s5 =	sadd.s32 $0xB000, s13;
	v23 =	vpop (erf);
	v19 =	vld [tilespmem:s11+$0x0];
	(erf) = vrcp.f32 v14  }
0x100: {  	s18 =	sand.u32 $0x3FFFFC00, s17;
	s1 =	sor.u32 s0, s1;
	v49 =	vsub.f32 v30, v45;
	s25 =	sor.u32 s22, s5;
	v62 =	vmax.f32 v34, v28;
	v31 =	vmax.f32 v36, v27  }
0x101: {  	s30 =	simm.s32 $0x200;
	s24 =	sor.u32 s21, s5;
	s22 =	sadd.s32 $0xB000, s18;
	v42 =	vmul.f32 $1.442695020e+00, v32;
	[tilespmem:s25+$0x380] =	vst v0;
	v39 =	vmax.f32 v31, v62;
	v31 =	vmax.f32 v15, v35  }
0x102: {  	s6 =	sand.u32 $0x3FFFFC00, s30;
	v50 =	vmul.f32 $1.442695020e+00, v44;
	v44 =	vld [tilespmem:s1+$0x0];
	[tilespmem:s24+$0x380] =	vst v0;
	s23 =	sor.u32 s23, s22;
	v46 =	vmax.f32 v20, v21;
	v24 =	vpop (erf);
	(erf) = vpow2.f32 v41  }
0x103: {  	s31 =	sadd.s32 $0xB000, s6;
	v40 =	vmax.f32 v25, v29;
	s22 =	sor.u32 s28, s22;
	v38 =	vsub.f32 v33, v45;
	[tilespmem:s23+$0x380] =	vst v0;
	v51 =	vmax.f32 v46, v63;
	v14 =	vpop (erf)  }
0x104: {  	s21 =	sor.u32 s0, s31;
	[tilespmem:s22+$0x380] =	vst v0;
	v46 =	vsub.f32 v26, v45;
	v45 =	vmul.f32 $1.442695020e+00, v49;
	v48 =	vmax.f32 v31, v19;
	v31 =	vpop (erf)  }
0x105: {  	s28 =	sor.u32 s29, s31;
	[tilespmem:s21+$0x380] =	vst v0;
	v33 =	vadd.f32 v23, v7;
	v41 =	vmul.f32 $1.442695020e+00, v43;
	v43 =	vmul.f32 $1.442695020e+00, v47;
	v30 =	vpop (erf)  }
0x106: {  	s29 =	simm.s32 $0x4;
	[tilespmem:s28+$0x380] =	vst v0;
	v37 =	vadd.f32 v24, v14;
	(erf) = vpow2.f32 v50;
	v26 =	vmax.f32 v51, v48;
	v32 =	vpop (erf)  }
.LBB2_9:
0x107: {  	s29 =	sadd.s32 $0x2, s29;
	v47 =	vmax.f32 v40, v44;
	v46 =	vmul.f32 $1.442695020e+00, v46;
	(erf) = vpow2.f32 v42;
	v40 =	vmovc v1;
	v1 =	vmovc v23  }
0x108: {  	v38 =	vmul.f32 $1.442695020e+00, v38;
	s0 =	sshrl.u32 s29, $0x3;
	s1 =	sshll.u32 s29, $0x7;
	p0 =	slt.u32 s29, $0x7E;
	v23 =	vmax.f32 v39, v47;
	(erf) = vpow2.f32 v45;
	v42 =	vpop (erf)  }
0x109: {  	s0 =	smul.u32 $0xE00, s0;
	s31 =	sand.u32 $0x3FFFFC00, s1;
	v36 =	vsub.f32 v36, v23;
	v39 =	vsub.f32 v44, v23;
	(erf) = vpow2.f32 v41;
	v41 =	vmovc v35;
	v35 =	vmovc v2  }
0x10a: {  	s26 =	sadd.s32 $0x20, s26;
	v27 =	vsub.f32 v27, v23;
	v44 =	vmul.f32 $3.906250000e-03, v42;
	v2 =	vmovc v24;
	v24 =	vmovc v5;
	(erf) = vpow2.f32 v46  }
0x10b: {  	s30 =	sand.u32 $0x60, s26;
	v34 =	vsub.f32 v34, v23;
	s5 =	sshra.s32 s0, $0x2;
	v36 =	vmul.f32 $1.442695020e+00, v36;
	v42 =	vpop (erf);
	(erf) = vpow2.f32 v38  }
0x10c: {  	v28 =	vsub.f32 v28, v23;
	v5 =	vmovc v31;
	v31 =	vmovc v4;
	s0 =	sor.u32 $0x10, s30;
	v38 =	vsub.f32 v25, v23;
	s9 =	sadd.s32 $0x3980, s5;
	s1 =	sadd.s32 $0x3A00, s5;
	(erf) = vpow2.f32 v43  }
0x10d: {  	v4 =	vmovc v30;
	v25 =	vmul.f32 $1.442695020e+00, v34;
	v23 =	vsub.f32 v29, v23;
	v18 =	vmul.f32 v44, v18;
	s6 =	sadd.s32 $0x3800, s5;
	s8 =	sadd.s32 $0x3880, s5;
	s10 =	sadd.s32 $0x3B00, s5  }
0x10e: {  	v28 =	vmul.f32 $1.442695020e+00, v28;
	v29 =	vadd.f32 v4, v5;
	v34 =	vmul.f32 v44, v11;
	s11 =	sor.u32 s30, s1;
	s13 =	sor.u32 s0, s9;
	s16 =	sor.u32 s0, s1  }
0x10f: {  	v27 =	vmul.f32 $1.442695020e+00, v27;
	s17 =	sadd.s32 $0x3A80, s5;
	s1 =	sor.u32 s30, s6;
	s18 =	sor.u32 s0, s6;
	v45 =	vld [tilespmem:s13+$0x0];
	(erf) = vpow2.f32 v25;
	v25 =	vadd.f32 v33, v37;
	v33 =	vpop (erf);
	[tilespmem:s25+$0x0] =	vst v18  }
0x110: {  	v16 =	vmul.f32 v44, v16;
	s2 =	sor.u32 s30, s17;
	s13 =	sor.u32 s30, s8;
	v43 =	vld [tilespmem:s16+$0x0];
	s16 =	sor.u32 s0, s10;
	(erf) = vpow2.f32 v28;
	v28 =	vadd.f32 v29, v42;
	v11 =	vpop (erf);
	[tilespmem:s25+$0x80] =	vst v34  }
0x111: {  	v17 =	vmul.f32 v44, v17;
	s6 =	sor.u32 s30, s10;
	s10 =	sor.u32 s0, s8;
	s8 =	sor.u32 s0, s17;
	v47 =	vld [tilespmem:s16+$0x0];
	(erf) = vpow2.f32 v27;
	v30 =	vpop (erf)  }
0x112: {  	v13 =	vmul.f32 v44, v13;
	s5 =	sadd.s32 $0x3900, s5;
	s9 =	sor.u32 s30, s9;
	v27 =	vld [tilespmem:s13+$0x0];
	(erf) = vpow2.f32 v36;
	v34 =	vadd.f32 v28, v25;
	v18 =	vpop (erf);
	[tilespmem:s25+$0x100] =	vst v16  }
0x113: {  	v48 =	vmul.f32 v44, v9;
	v29 =	vmul.f32 $1.442695020e+00, v38;
	s13 =	sor.u32 s30, s5;
	s5 =	sor.u32 s0, s5;
	v36 =	vadd.f32 v33, v30;
	v25 =	vld [tilespmem:s11+$0x0];
	v37 =	vpop (erf);
	[tilespmem:s25+$0x180] =	vst v17  }
0x114: {  	v49 =	vmul.f32 v44, v12;
	v23 =	vmul.f32 $1.442695020e+00, v23;
	v38 =	vadd.f32 v11, v18;
	v28 =	vld [tilespmem:s9+$0x0];
	v16 =	vpop (erf);
	[tilespmem:s25+$0x200] =	vst v13  }
0x115: {  	v32 =	vmul.f32 $3.906250000e-03, v32;
	v44 =	vadd.f32 v36, v37;
	v46 =	vld [tilespmem:s18+$0x0];
	(erf) = vpow2.f32 v29;
	v17 =	vpop (erf);
	[tilespmem:s25+$0x280] =	vst v48  }
0x116: {  	v9 =	vmovc v33;
	v13 =	vmovc v30;
	v12 =	vmov v37;
	v29 =	vld [tilespmem:s2+$0x0];
	(erf) = vpow2.f32 v23;
	v51 =	vadd.f32 v17, v16;
	[tilespmem:s25+$0x300] =	vst v49;
	s25 =	smov.u32 s23;
	s23 =	smov.u32 s28  }
0x117: {  	v30 =	vmul.f32 v32, v3;
	v3 =	vmov v14;
	v48 =	vld [tilespmem:s10+$0x0];
	(erf) = vrcp.f32 v34  }
0x118: {  	v50 =	vmul.f32 v32, v24;
	v37 =	vmul.f32 v32, v35;
	v34 =	vld [tilespmem:s13+$0x0];
	v49 =	vpop (erf);
	v52 =	vadd.f32 v51, v38  }
0x119: {  	v53 =	vmul.f32 v32, v8;
	v38 =	vsub.f32 v22, v26;
	v36 =	vld [tilespmem:s1+$0x0];
	v23 =	vpop (erf);
	[tilespmem:s24+$0x0] =	vst v30;
	v30 =	vmul.f32 v32, v31  }
0x11a: {  	v51 =	vmul.f32 v32, v40;
	v35 =	vld [tilespmem:s8+$0x0];
	v33 =	vadd.f32 v23, v49;
	v24 =	vpop (erf);
	v31 =	vadd.f32 v44, v52;
	[tilespmem:s24+$0x200] =	vst v50  }
0x11b: {  	v20 =	vsub.f32 v20, v26;
	v6 =	vmul.f32 v32, v6;
	v50 =	vsub.f32 v41, v26;
	v44 =	vld [tilespmem:s6+$0x0];
	v14 =	vpop (erf);
	[tilespmem:s24+$0x300] =	vst v53  }
0x11c: {  	v8 =	vmovc v42;
	v40 =	vmax.f32 v25, v29;
	v22 =	vld [tilespmem:s5+$0x0];
	v52 =	vmax.f32 v46, v48;
	(erf) = vrcp.f32 v31;
	[tilespmem:s24+$0x80] =	vst v37  }
0x11d: {  	v41 =	vmul.f32 $1.442695020e+00, v39;
	v53 =	vsub.f32 v10, v26;
	v10 =	vmovc v45;
	v32 =	vmax.f32 v34, v28;
	[tilespmem:s24+$0x280] =	vst v30  }
0x11e: {  	v21 =	vsub.f32 v21, v26;
	s1 =	sadd.s32 $0xB000, s31;
	v37 =	vadd.f32 v24, v14;
	v42 =	vmax.f32 v36, v27;
	v31 =	vpop (erf);
	[tilespmem:s24+$0x100] =	vst v6  }
.Ltmp6:
0x11f: {  	s28 =	sor.u32 s0, s1;
	v39 =	vmax.f32 v42, v32;
	v6 =	vmax.f32 v43, v35;
	v30 =	vpop (erf);
	(erf) = vpow2.f32 v41;
	[tilespmem:s24+$0x180] =	vst v51;
	s24 =	smov.u32 s22;
	(pc) =	sbr.rel @p0 .LBB2_9-.Ltmp6, $4  }
0x120: {  	v45 =	vsub.f32 v15, v26;
	v42 =	vmul.f32 $1.442695020e+00, v21;
	s22 =	smov.u32 s21;
	s21 =	sor.u32 s30, s1;
	v6 =	vmax.f32 v6, v47;
	[tilespmem:s28+$0x380] =	vst v0;
	v32 =	vpop (erf)  }
0x121: {  	v15 =	vmovc v43;
	v50 =	vmul.f32 $1.442695020e+00, v50;
	v41 =	vmul.f32 $1.442695020e+00, v20;
	v20 =	vmovc v46;
	[tilespmem:s21+$0x380] =	vst v0;
	v54 =	vmax.f32 v22, v10  }
0x122: {  	v43 =	vmul.f32 $1.442695020e+00, v53;
	v46 =	vsub.f32 v19, v26;
	v19 =	vmovc v47;
	v21 =	vmovc v48;
	v51 =	vmax.f32 v52, v54  }
0x123: {  	v45 =	vmul.f32 $1.442695020e+00, v45;
	v26 =	vmax.f32 v51, v6;
	(erf) = vpow2.f32 v50;
	v6 =	vmovc v7;
	v7 =	vmovc v49  }
0x124: {  	(erf) = vpow2.f32 v42  }
0x125: {  	v48 =	vmul.f32 $1.442695020e+00, v46;
	(erf) = vpow2.f32 v45  }
0x126: {  	v38 =	vmul.f32 $1.442695020e+00, v38;
	(erf) = vpow2.f32 v41  }
0x127: {  	(erf) = vpow2.f32 v48  }
0x128: {  	(erf) = vpow2.f32 v38  }
0x129: {  	v40 =	vmax.f32 v40, v44;
	(erf) = vpow2.f32 v43  }
0x12a: {  	v49 =	vpop (erf);
	v40 =	vmax.f32 v39, v40  }
0x12b: {  	v34 =	vsub.f32 v34, v40;
	v38 =	vpop (erf)  }
0x12c: {  	v51 =	vadd.f32 v30, v31;
	v39 =	vpop (erf)  }
0x12d: {  	v33 =	vadd.f32 v33, v37;
	v56 =	vsub.f32 v35, v26;
	v34 =	vmul.f32 $1.442695020e+00, v34;
	v42 =	vpop (erf)  }
0x12e: {  	v36 =	vsub.f32 v36, v40;
	v50 =	vsub.f32 v44, v40;
	v44 =	vpop (erf)  }
0x12f: {  	v63 =	vmul.f32 $3.906250000e-03, v32;
	v28 =	vsub.f32 v28, v40;
	v27 =	vsub.f32 v27, v40;
	v45 =	vpop (erf)  }
0x130: {  	v25 =	vsub.f32 v25, v40;
	v29 =	vsub.f32 v29, v40;
	v36 =	vmul.f32 $1.442695020e+00, v36;
	v40 =	vpop (erf)  }
0x131: {  	v21 =	vsub.f32 v21, v26;
	v28 =	vmul.f32 $1.442695020e+00, v28;
	(erf) = vpow2.f32 v34;
	v34 =	vpop (erf)  }
0x132: {  	v27 =	vmul.f32 $1.442695020e+00, v27;
	v25 =	vmul.f32 $1.442695020e+00, v25;
	v52 =	vadd.f32 v39, v44;
	v37 =	vpop (erf)  }
0x133: {  	(erf) = vpow2.f32 v28;
	v53 =	vadd.f32 v42, v45;
	v47 =	vadd.f32 v37, v34  }
0x134: {  	v29 =	vmul.f32 $1.442695020e+00, v29;
	v54 =	vadd.f32 v51, v38;
	(erf) = vpow2.f32 v27  }
0x135: {  	(erf) = vpow2.f32 v36;
	v28 =	vadd.f32 v52, v40;
	v27 =	vadd.f32 v47, v53  }
0x136: {  	v41 =	vmul.f32 $3.906250000e-03, v49;
	v33 =	vadd.f32 v54, v33;
	(erf) = vpow2.f32 v25  }
0x137: {  	v57 =	vmul.f32 $1.442695020e+00, v50;
	(erf) = vpow2.f32 v29;
	v55 =	vadd.f32 v28, v27  }
0x138: {  	v58 =	vsub.f32 v15, v26;
	(erf) = vrcp.f32 v33;
	v27 =	vmul.f32 $1.442695020e+00, v56  }
0x139: {  	v20 =	vsub.f32 v20, v26;
	v21 =	vmul.f32 $1.442695020e+00, v21;
	(erf) = vrcp.f32 v55  }
0x13a: {  	v19 =	vsub.f32 v19, v26;
	v25 =	vmul.f32 $1.442695020e+00, v58;
	(erf) = vpow2.f32 v57  }
0x13b: {  	v22 =	vsub.f32 v22, v26;
	v20 =	vmul.f32 $1.442695020e+00, v20;
	v15 =	vpop (erf);
	(erf) = vpow2.f32 v27  }
0x13c: {  	v10 =	vsub.f32 v10, v26;
	v19 =	vmul.f32 $1.442695020e+00, v19;
	v27 =	vpop (erf);
	(erf) = vpow2.f32 v21  }
0x13d: {  	v22 =	vmul.f32 $1.442695020e+00, v22;
	v21 =	vpop (erf);
	(erf) = vpow2.f32 v25  }
0x13e: {  	v10 =	vmul.f32 $1.442695020e+00, v10;
	v25 =	vpop (erf);
	(erf) = vpow2.f32 v20  }
0x13f: {  	v18 =	vmul.f32 v41, v18;
	v20 =	vpop (erf);
	(erf) = vpow2.f32 v19  }
0x140: {  	v3 =	vmul.f32 v63, v3;
	v19 =	vpop (erf);
	(erf) = vpow2.f32 v22  }
0x141: {  	v59 =	vpop (erf);
	(erf) = vpow2.f32 v10  }
0x142: {  	v5 =	vmul.f32 v63, v5;
	[tilespmem:s24+$0x0] =	vst v3;
	v60 =	vpop (erf)  }
0x143: {  	v2 =	vmul.f32 v63, v2;
	[tilespmem:s25+$0x0] =	vst v18;
	v18 =	vpop (erf)  }
0x144: {  	v4 =	vmul.f32 v63, v4;
	v61 =	vmul.f32 v41, v17;
	[tilespmem:s24+$0x200] =	vst v5;
	v17 =	vpop (erf)  }
0x145: {  	v6 =	vmul.f32 v63, v6;
	[tilespmem:s24+$0x80] =	vst v2;
	v62 =	vpop (erf)  }
0x146: {  	v1 =	vmul.f32 v63, v1;
	[tilespmem:s24+$0x280] =	vst v4;
	v36 =	vpop (erf)  }
0x147: {  	v11 =	vmul.f32 v41, v11;
	[tilespmem:s24+$0x100] =	vst v6;
	v43 =	vpop (erf)  }
0x148: {  	v16 =	vmul.f32 v41, v16;
	v13 =	vmul.f32 v41, v13;
	[tilespmem:s24+$0x180] =	vst v1;
	v46 =	vpop (erf)  }
0x149: {  	v9 =	vmul.f32 v41, v9;
	[tilespmem:s25+$0x80] =	vst v11;
	v47 =	vadd.f32 v27, v15;
	v48 =	vadd.f32 v21, v25;
	v49 =	vpop (erf)  }
0x14a: {  	v3 =	vmul.f32 v63, v8;
	[tilespmem:s25+$0x100] =	vst v16;
	v50 =	vadd.f32 v19, v20;
	v51 =	vadd.f32 v17, v36;
	v52 =	vpop (erf)  }
0x14b: {  	v12 =	vmul.f32 v41, v12;
	[tilespmem:s25+$0x180] =	vst v61;
	v53 =	vadd.f32 v62, v43;
	v54 =	vadd.f32 v52, v49  }
0x14c: {  	[tilespmem:s24+$0x300] =	vst v3;
	v3 =	vadd.f32 v47, v48;
	v2 =	vmul.f32 $3.906250000e-03, v60;
	v8 =	vadd.f32 v50, v18  }
0x14d: {  	[tilespmem:s25+$0x200] =	vst v13;
	v57 =	vmul.f32 $3.906250000e-03, v59;
	v55 =	vadd.f32 v51, v46;
	v5 =	vadd.f32 v54, v53  }
0x14e: {  	[tilespmem:s25+$0x280] =	vst v9;
	v1 =	vmul.f32 v2, v42;
	v3 =	vadd.f32 v8, v3  }
0x14f: {  	[tilespmem:s25+$0x300] =	vst v12;
	v58 =	vmul.f32 v57, v30;
	v5 =	vadd.f32 v55, v5  }
0x150: {  	[tilespmem:s23+$0x80] =	vst v1;
	v1 =	vmul.f32 v2, v37;
	(erf) = vrcp.f32 v3  }
0x151: {  	[tilespmem:s22+$0x280] =	vst v58;
	v3 =	vmul.f32 v2, v34;
	(erf) = vrcp.f32 v5  }
0x152: {  	v56 =	vmul.f32 v2, v45;
	[tilespmem:s23+$0x180] =	vst v1;
	v1 =	vmul.f32 v2, v39  }
0x153: {  	[tilespmem:s23+$0x100] =	vst v3;
	v3 =	vmul.f32 v2, v44;
	v2 =	vmul.f32 v2, v40  }
0x154: {  	[tilespmem:s23+$0x280] =	vst v1;
	v1 =	vmul.f32 v57, v14  }
0x155: {  	v59 =	vmul.f32 v57, v7;
	[tilespmem:s23+$0x300] =	vst v2;
	v2 =	vmul.f32 v57, v31  }
0x156: {  	[tilespmem:s22+$0x0] =	vst v1;
	v1 =	vmul.f32 v57, v38  }
0x157: {  	[tilespmem:s22+$0x100] =	vst v59  }
0x158: {  	[tilespmem:s23+$0x200] =	vst v3  }
0x159: {  	v3 =	vmul.f32 v57, v24;
	[tilespmem:s22+$0x200] =	vst v2;
	v2 =	vpop (erf)  }
0x15a: {  	[tilespmem:s22+$0x300] =	vst v1;
	v2 =	vmul.f32 $3.906250000e-03, v2;
	v1 =	vpop (erf)  }
0x15b: {  	[tilespmem:s22+$0x80] =	vst v3;
	v3 =	vmul.f32 v57, v23;
	v1 =	vmul.f32 $3.906250000e-03, v1  }
0x15c: {  	[tilespmem:s23+$0x0] =	vst v56;
	v63 =	vmul.f32 v2, v21  }
0x15d: {  	[tilespmem:s22+$0x180] =	vst v3;
	v60 =	vmul.f32 v1, v43  }
0x15e: {  	[tilespmem:s21+$0x80] =	vst v63;
	v3 =	vmul.f32 v1, v62  }
0x15f: {  	v61 =	vmul.f32 v1, v49;
	[tilespmem:s28+$0x0] =	vst v60  }
0x160: {  	[tilespmem:s28+$0x80] =	vst v3;
	v3 =	vmul.f32 v1, v52  }
0x161: {  	v62 =	vmul.f32 v1, v36;
	[tilespmem:s28+$0x100] =	vst v61  }
0x162: {  	[tilespmem:s28+$0x180] =	vst v3;
	v3 =	vmul.f32 v1, v17  }
0x163: {  	[tilespmem:s28+$0x200] =	vst v62;
	v1 =	vmul.f32 v1, v46  }
0x164: {  	[tilespmem:s28+$0x280] =	vst v3;
	v3 =	vmul.f32 v2, v25  }
0x165: {  	[tilespmem:s28+$0x300] =	vst v1;
	v1 =	vmul.f32 v2, v20  }
0x166: {  	[tilespmem:s21+$0x0] =	vst v3;
	v3 =	vmul.f32 v2, v18  }
0x167: {  	p0 =	seq.s32 s19, $0x3;
	[tilespmem:s21+$0x200] =	vst v1;
	v1 =	vmul.f32 v2, v19  }
.Ltmp7:
0x168: {  	[tilespmem:s21+$0x300] =	vst v3;
	v3 =	vmul.f32 v2, v15;
	(pc) =	sbr.rel @p0 .LBB2_12-.Ltmp7, $4  }
0x169: {  	v2 =	vmul.f32 v2, v27;
	[tilespmem:s21+$0x280] =	vst v1  }
0x16a: {  	s0 =	sor.u32 $0x800, s20;
	s1 =	rddreg [dreg:$0x1];
	[tilespmem:s21+$0x100] =	vst v3  }
0x16b: {  	s2 =	simm.s32 $0xB000;
	s1 =	sadd.s32 s1, s0;
	[tilespmem:s21+$0x180] =	vst v2  }
0x16c: {  	[hbm4b:s1+s3] =	stream.linear.scatter [tilespmem:s2], [sflag:$0x4], $0x4000, $0x38;
	[tilespmem:$0xF000] =	vst v63  }
.Ltmp8:
0x16d: {  	(pc) =	sbr.rel .LBB2_2-.Ltmp8, $4  }
0x16e: {  	_ = 	snop  }
0x16f: {  	s0 =	sadd.s32 s0, s7;
	s1 =	simm.s32 $0x380  }
0x170: {  	s2 =	simm.s32 $0x400;
	s5 =	simm.s32 $0x3800;
	s19 =	sadd.s32 $0x1, s19  }
0x171: {  	[tilespmem:s5], [sflag:$0x2] =	stream.strided.gather [hbm4b:s0+s1], $0x3800, s2, s1, $0x38;
	[tilespmem:$0xF000] =	vst v63  }
.LBB2_13:
0x172: {  	_ =	sfence.sel $0x180000  }
0x173: {  	[bflag:$0x0] =	sbarrier.arrive $0xFFFF  }
0x174: {  	_ =	strace $0x90000047  }
0x175: {  	s0 =	stileid.u32;
	[bflag:$0x2] =	sbarrier.arrive $0xFFFF  }
0x176: {  	p0 =	sne.s32 s0, $0x0;
	s0 =	rddreg [dreg:$0x2]  }
0x177: {  	s0 =	sadd.s32 @!p0 $0x100000, s0  }
0x178: {  	[sflag:s0] =	ssyncadd.tile.s32 @!p0 $0x1;
	_ =	shalt  }
.Lfunc_end2:
_tile_overlayer_lowered:
.L_overlay_start_2:
0x179: {  	(tag) =	ssettag $0x2  }
0x17a: {  	s0 =	rddreg [dreg:$0x0];
	s2 =	stileid.u32  }
0x17b: {  	s1 =	rddreg [dreg:$0x1];
	p0 =	sne.s32 s2, $0x0  }
0x17c: {  	s3 =	rddreg [dreg:$0x2];
	[bflag:$0x3] =	sbarrier.arrive $0xFFFF;
	s2 =	simm.s32 @!p0 $0x1C05  }
0x17d: {  	[timem:s3], [sflag:s2] =	dma.local @!p0 [hbm:s0], s1  }
0x17e: {  	s0 =	simm.s32 @!p0 $0x5  }
0x17f: {  	_ =	swait.ge @!p0 [sflag:s0], s1  }
0x180: {  	s1 =	ssub.s32 @!p0 $0x0, s1;
	[sflag:s0] =	ssyncset.done @!p0 $0x0  }
0x181: {  	[sflag:s0] =	ssyncadd.s32 @!p0 s1  }
0x182: {  	[bflag:$0x3] =	sbarrier.arrive $0xFFFF  }
0x183: {  	_ =	shalt  }

</sc_bundles>
